<compile_context>
chip_gen: v7x
topology: tpu7x:2x2x1
jax: 0.10.2.dev20260603
libtpu: 0.0.44.dev20260713+nightly
codegen_flags: <defaults>
</compile_context>

<pallas_src>
import functools

import jax
import jax.numpy as jnp
from jax import lax
from jax.experimental import pallas as pl
from jax.experimental.pallas import tpu as pltpu
from jax.experimental.pallas import tpu_sc as plsc

B, HN, N1, N2 = 32, 12, 256, 256

_MESH = plsc.VectorSubcoreMesh(core_axis_name="c", subcore_axis_name="s")


def _tc_copy_body(rgb_ref, out_ref):
    out_ref[0] = rgb_ref[0]


def _run_tc_copy(x):
    blk = pl.BlockSpec((1, HN, N1, N2), lambda b: (b, 0, 0, 0))
    return pl.pallas_call(
        _tc_copy_body,
        grid=(B,),
        in_specs=[blk],
        out_specs=blk,
        out_shape=jax.ShapeDtypeStruct((B, HN, N1, N2), jnp.float32),
        compiler_params=pltpu.CompilerParams(
            dimension_semantics=("parallel",)),
    )(x)


@functools.partial(
    pl.kernel, mesh=_MESH,
    out_type=jax.ShapeDtypeStruct((B, HN, N1, N2), jnp.float32),
    compiler_params=pltpu.CompilerParams(needs_layout_passes=False),
    scratch_types=[
        pltpu.VMEM((N1, N2), jnp.float32),
        pltpu.VMEM((N1, N2), jnp.float32),
    ],
)
def _sc_copy(x_hbm, out_hbm, buf0, buf1):
    b = lax.axis_index("s") * 2 + lax.axis_index("c")
    bufs = [buf0, buf1]
    for h in range(HN):
        buf = bufs[h % 2]
        pltpu.sync_copy(x_hbm.at[b, h], buf)
        pltpu.sync_copy(buf, out_hbm.at[b, h])


def kernel(attn_rgb, attn_tir, global_index_s, ln_g, ln_b, W1, b1, W2, b2):
    out_tir = _sc_copy(attn_tir)
    out_rgb = _run_tc_copy(attn_rgb)
    return (out_tir, out_rgb)

# --- scband reference (transcript-rebuilt; emitter-appended) ---
"""Pipeline reference for scband-se-attn-fusion-26757646254180 (READ-ONLY COPY).

The authoritative reference and input builder live on the scoring server;
editing this copy changes nothing except your own understanding.
"""

import jax, jax.numpy as jnp
import numpy as np

B, HN, N1, N2 = 32, 12, 256, 256

def _xavier(k, fan_out, fan_in):
    limit = float(np.sqrt(6.0 / (fan_in + fan_out)))
    return jax.random.uniform(k, (fan_out, fan_in), jnp.float32, -limit, limit)

def setup_inputs(seed: int = 0) -> dict:
    key = jax.random.key(seed)
    ks = jax.random.split(key, 6)
    attn_rgb = jax.random.normal(ks[0], (B, HN, N1, N2), dtype=jnp.float32)
    attn_tir = jax.random.normal(ks[1], (B, HN, N1, N2), dtype=jnp.float32)
    global_index_s = jnp.sort(jax.random.randint(ks[2], (B, N1), 0, 256), axis=-1)
    ln_g = jnp.ones((512,), jnp.float32)
    ln_b = jnp.zeros((512,), jnp.float32)
    W1 = _xavier(ks[3], 256, 512)
    b1 = jnp.zeros((256,), jnp.float32)
    W2 = _xavier(ks[4], 512, 256)
    b2 = jnp.zeros((512,), jnp.float32)
    return {"attn_rgb": attn_rgb, "attn_tir": attn_tir, "global_index_s": global_index_s,
            "ln_g": ln_g, "ln_b": ln_b, "W1": W1, "b1": b1, "W2": W2, "b2": b2}

def _layernorm(x, g, b, eps=1e-5):
    mu = jnp.mean(x, axis=-1, keepdims=True)
    var = jnp.mean((x - mu) ** 2, axis=-1, keepdims=True)
    return (x - mu) / jnp.sqrt(var + eps) * g + b

def reference(attn_rgb, attn_tir, global_index_s, ln_g, ln_b, W1, b1, W2, b2):
    Bc, hn, n1, n2 = attn_rgb.shape
    idx = jnp.repeat(global_index_s[:, None, :], hn, axis=1)  # [B, hn, N1]
    b_idx = jnp.arange(Bc)[:, None, None]
    h_idx = jnp.arange(hn)[None, :, None]
    src_rgb = jax.lax.stop_gradient(jnp.max(attn_rgb, axis=-1))  # detach()
    src_tir = jax.lax.stop_gradient(jnp.max(attn_tir, axis=-1))
    vex_col_rgb = jnp.zeros((Bc, hn, 256), jnp.float32).at[b_idx, h_idx, idx].set(src_rgb)
    vex_col_tir = jnp.zeros((Bc, hn, 256), jnp.float32).at[b_idx, h_idx, idx].set(src_tir)
    vex_col = jnp.concatenate([vex_col_rgb, vex_col_tir], axis=-1)  # [B, hn, 512]
    h = _layernorm(vex_col, ln_g, ln_b)
    h = h @ W1.T + b1
    h = jax.nn.relu(h)
    h = h @ W2.T + b2
    vex_col = jax.nn.sigmoid(h)  # [B, hn, 512]
    g_rgb = jnp.take_along_axis(vex_col[:, :, :256], idx, axis=-1).reshape(Bc, hn, n1, 1)
    g_tir = jnp.take_along_axis(vex_col[:, :, 256:], idx, axis=-1).reshape(Bc, hn, n1, 1)
    attn_rgb_col = g_rgb * attn_rgb
    attn_tir_col = g_tir * attn_tir
    return (attn_tir_col, attn_rgb_col)

if __name__ == "__main__":
    import jax
    _d = setup_inputs()
    print(jax.jit(kernel)(*tuple(_d.values())))

</pallas_src>

<mosaic_0001>
#map = affine_map<(d0, d1) -> (0, 0, 0, 0)>
module attributes {stable_mosaic.version = 14 : i64} {
  func.func @_sc_copy(%arg0: i32, %arg1: i32, %arg2: memref<32x12x256x256xf32, #tpu.memory_space<hbm>>, %arg3: memref<32x12x256x256xf32, #tpu.memory_space<hbm>>, %arg4: memref<256x256xf32, #tpu.memory_space<vmem>>, %arg5: memref<256x256xf32, #tpu.memory_space<vmem>>) attributes {dimension_semantics = [#tpu.dimension_semantics<core_parallel>, #tpu.dimension_semantics<subcore_parallel>], iteration_bounds = array<i64: 2, 16>, scalar_prefetch = 0 : i64, scratch_operands = 2 : i64, tpu.core_type = #tpu.core_type<sc_vector_subcore>, window_params = [{transform_indices = #map}, {transform_indices = #map}]} {
    %mul3A = arith.constant 2 : i32
    %mul3A_0 = arith.muli %arg1, %mul3A : i32
    %add3A = arith.addi %mul3A_0, %arg0 : i32
    %run_scoped3A = arith.constant 0 : i32
    "tpu.region"() ({
      %run_scoped3A_24 = tpu.sem_alloc : memref<!tpu.dma_semaphore, #tpu.memory_space<semaphore_mem>>
      %dma_start3A = arith.constant 0 : i32
      %dma_start3A_25 = arith.constant 0 : i32
      %dma_start3A_26 = tpu.memref_slice %arg2[%add3A, %run_scoped3A, %dma_start3A, %dma_start3A_25] : memref<32x12x256x256xf32, #tpu.memory_space<hbm>> -> memref<1x1x256x256xf32, #tpu.memory_space<hbm>>
      %dma_start3A_27 = tpu.memref_squeeze %dma_start3A_26 : memref<1x1x256x256xf32, #tpu.memory_space<hbm>> -> memref<256x256xf32, #tpu.memory_space<hbm>>
      %dma_start3A_28 = arith.constant 0 : i32
      %dma_start3A_29 = arith.constant 0 : i32
      %dma_start3A_30 = tpu.memref_slice %arg2[%add3A, %run_scoped3A, %dma_start3A_28, %dma_start3A_29] : memref<32x12x256x256xf32, #tpu.memory_space<hbm>> -> memref<1x1x256x256xf32, #tpu.memory_space<hbm>>
      %dma_start3A_31 = tpu.memref_squeeze %dma_start3A_30 : memref<1x1x256x256xf32, #tpu.memory_space<hbm>> -> memref<256x256xf32, #tpu.memory_space<hbm>>
      tpu.enqueue_dma source(%dma_start3A_31 : memref<256x256xf32, #tpu.memory_space<hbm>>) target(%arg4 : memref<256x256xf32, #tpu.memory_space<vmem>>) target_semaphore(%run_scoped3A_24 : memref<!tpu.dma_semaphore, #tpu.memory_space<semaphore_mem>>)
      %dma_wait3A = arith.constant 0 : i32
      %dma_wait3A_32 = arith.constant 0 : i32
      %dma_wait3A_33 = tpu.memref_slice %arg2[%add3A, %run_scoped3A, %dma_wait3A, %dma_wait3A_32] : memref<32x12x256x256xf32, #tpu.memory_space<hbm>> -> memref<1x1x256x256xf32, #tpu.memory_space<hbm>>
      %dma_wait3A_34 = tpu.memref_squeeze %dma_wait3A_33 : memref<1x1x256x256xf32, #tpu.memory_space<hbm>> -> memref<256x256xf32, #tpu.memory_space<hbm>>
      %dma_wait3A_35 = arith.constant 0 : i32
      %dma_wait3A_36 = arith.constant 0 : i32
      %dma_wait3A_37 = tpu.memref_slice %arg2[%add3A, %run_scoped3A, %dma_wait3A_35, %dma_wait3A_36] : memref<32x12x256x256xf32, #tpu.memory_space<hbm>> -> memref<1x1x256x256xf32, #tpu.memory_space<hbm>>
      %dma_wait3A_38 = tpu.memref_squeeze %dma_wait3A_37 : memref<1x1x256x256xf32, #tpu.memory_space<hbm>> -> memref<256x256xf32, #tpu.memory_space<hbm>>
      tpu.wait_dma2 semaphore(%run_scoped3A_24 : memref<!tpu.dma_semaphore, #tpu.memory_space<semaphore_mem>>) src(%dma_wait3A_38 : memref<256x256xf32, #tpu.memory_space<hbm>>) dst(%arg4 : memref<256x256xf32, #tpu.memory_space<vmem>>)
      tpu.yield
    }) : () -> ()
    %run_scoped3A_1 = arith.constant 0 : i32
    "tpu.region"() ({
      %run_scoped3A_24 = tpu.sem_alloc : memref<!tpu.dma_semaphore, #tpu.memory_space<semaphore_mem>>
      %dma_start3A = arith.constant 0 : i32
      %dma_start3A_25 = arith.constant 0 : i32
      %dma_start3A_26 = tpu.memref_slice %arg3[%add3A, %run_scoped3A_1, %dma_start3A, %dma_start3A_25] : memref<32x12x256x256xf32, #tpu.memory_space<hbm>> -> memref<1x1x256x256xf32, #tpu.memory_space<hbm>>
      %dma_start3A_27 = tpu.memref_squeeze %dma_start3A_26 : memref<1x1x256x256xf32, #tpu.memory_space<hbm>> -> memref<256x256xf32, #tpu.memory_space<hbm>>
      %dma_start3A_28 = arith.constant 0 : i32
      %dma_start3A_29 = arith.constant 0 : i32
      %dma_start3A_30 = tpu.memref_slice %arg3[%add3A, %run_scoped3A_1, %dma_start3A_28, %dma_start3A_29] : memref<32x12x256x256xf32, #tpu.memory_space<hbm>> -> memref<1x1x256x256xf32, #tpu.memory_space<hbm>>
      %dma_start3A_31 = tpu.memref_squeeze %dma_start3A_30 : memref<1x1x256x256xf32, #tpu.memory_space<hbm>> -> memref<256x256xf32, #tpu.memory_space<hbm>>
      tpu.enqueue_dma source(%arg4 : memref<256x256xf32, #tpu.memory_space<vmem>>) target(%dma_start3A_31 : memref<256x256xf32, #tpu.memory_space<hbm>>) target_semaphore(%run_scoped3A_24 : memref<!tpu.dma_semaphore, #tpu.memory_space<semaphore_mem>>)
      %dma_wait3A = arith.constant 0 : i32
      %dma_wait3A_32 = arith.constant 0 : i32
      %dma_wait3A_33 = tpu.memref_slice %arg3[%add3A, %run_scoped3A_1, %dma_wait3A, %dma_wait3A_32] : memref<32x12x256x256xf32, #tpu.memory_space<hbm>> -> memref<1x1x256x256xf32, #tpu.memory_space<hbm>>
      %dma_wait3A_34 = tpu.memref_squeeze %dma_wait3A_33 : memref<1x1x256x256xf32, #tpu.memory_space<hbm>> -> memref<256x256xf32, #tpu.memory_space<hbm>>
      %dma_wait3A_35 = arith.constant 0 : i32
      %dma_wait3A_36 = arith.constant 0 : i32
      %dma_wait3A_37 = tpu.memref_slice %arg3[%add3A, %run_scoped3A_1, %dma_wait3A_35, %dma_wait3A_36] : memref<32x12x256x256xf32, #tpu.memory_space<hbm>> -> memref<1x1x256x256xf32, #tpu.memory_space<hbm>>
      %dma_wait3A_38 = tpu.memref_squeeze %dma_wait3A_37 : memref<1x1x256x256xf32, #tpu.memory_space<hbm>> -> memref<256x256xf32, #tpu.memory_space<hbm>>
      tpu.wait_dma2 semaphore(%run_scoped3A_24 : memref<!tpu.dma_semaphore, #tpu.memory_space<semaphore_mem>>) src(%arg4 : memref<256x256xf32, #tpu.memory_space<vmem>>) dst(%dma_wait3A_38 : memref<256x256xf32, #tpu.memory_space<hbm>>)
      tpu.yield
    }) : () -> ()
    %run_scoped3A_2 = arith.constant 1 : i32
    "tpu.region"() ({
      %run_scoped3A_24 = tpu.sem_alloc : memref<!tpu.dma_semaphore, #tpu.memory_space<semaphore_mem>>
      %dma_start3A = arith.constant 0 : i32
      %dma_start3A_25 = arith.constant 0 : i32
      %dma_start3A_26 = tpu.memref_slice %arg2[%add3A, %run_scoped3A_2, %dma_start3A, %dma_start3A_25] : memref<32x12x256x256xf32, #tpu.memory_space<hbm>> -> memref<1x1x256x256xf32, #tpu.memory_space<hbm>>
      %dma_start3A_27 = tpu.memref_squeeze %dma_start3A_26 : memref<1x1x256x256xf32, #tpu.memory_space<hbm>> -> memref<256x256xf32, #tpu.memory_space<hbm>>
      %dma_start3A_28 = arith.constant 0 : i32
      %dma_start3A_29 = arith.constant 0 : i32
      %dma_start3A_30 = tpu.memref_slice %arg2[%add3A, %run_scoped3A_2, %dma_start3A_28, %dma_start3A_29] : memref<32x12x256x256xf32, #tpu.memory_space<hbm>> -> memref<1x1x256x256xf32, #tpu.memory_space<hbm>>
      %dma_start3A_31 = tpu.memref_squeeze %dma_start3A_30 : memref<1x1x256x256xf32, #tpu.memory_space<hbm>> -> memref<256x256xf32, #tpu.memory_space<hbm>>
      tpu.enqueue_dma source(%dma_start3A_31 : memref<256x256xf32, #tpu.memory_space<hbm>>) target(%arg5 : memref<256x256xf32, #tpu.memory_space<vmem>>) target_semaphore(%run_scoped3A_24 : memref<!tpu.dma_semaphore, #tpu.memory_space<semaphore_mem>>)
      %dma_wait3A = arith.constant 0 : i32
      %dma_wait3A_32 = arith.constant 0 : i32
      %dma_wait3A_33 = tpu.memref_slice %arg2[%add3A, %run_scoped3A_2, %dma_wait3A, %dma_wait3A_32] : memref<32x12x256x256xf32, #tpu.memory_space<hbm>> -> memref<1x1x256x256xf32, #tpu.memory_space<hbm>>
      %dma_wait3A_34 = tpu.memref_squeeze %dma_wait3A_33 : memref<1x1x256x256xf32, #tpu.memory_space<hbm>> -> memref<256x256xf32, #tpu.memory_space<hbm>>
      %dma_wait3A_35 = arith.constant 0 : i32
      %dma_wait3A_36 = arith.constant 0 : i32
      %dma_wait3A_37 = tpu.memref_slice %arg2[%add3A, %run_scoped3A_2, %dma_wait3A_35, %dma_wait3A_36] : memref<32x12x256x256xf32, #tpu.memory_space<hbm>> -> memref<1x1x256x256xf32, #tpu.memory_space<hbm>>
      %dma_wait3A_38 = tpu.memref_squeeze %dma_wait3A_37 : memref<1x1x256x256xf32, #tpu.memory_space<hbm>> -> memref<256x256xf32, #tpu.memory_space<hbm>>
      tpu.wait_dma2 semaphore(%run_scoped3A_24 : memref<!tpu.dma_semaphore, #tpu.memory_space<semaphore_mem>>) src(%dma_wait3A_38 : memref<256x256xf32, #tpu.memory_space<hbm>>) dst(%arg5 : memref<256x256xf32, #tpu.memory_space<vmem>>)
      tpu.yield
    }) : () -> ()
    %run_scoped3A_3 = arith.constant 1 : i32
    "tpu.region"() ({
      %run_scoped3A_24 = tpu.sem_alloc : memref<!tpu.dma_semaphore, #tpu.memory_space<semaphore_mem>>
      %dma_start3A = arith.constant 0 : i32
      %dma_start3A_25 = arith.constant 0 : i32
      %dma_start3A_26 = tpu.memref_slice %arg3[%add3A, %run_scoped3A_3, %dma_start3A, %dma_start3A_25] : memref<32x12x256x256xf32, #tpu.memory_space<hbm>> -> memref<1x1x256x256xf32, #tpu.memory_space<hbm>>
      %dma_start3A_27 = tpu.memref_squeeze %dma_start3A_26 : memref<1x1x256x256xf32, #tpu.memory_space<hbm>> -> memref<256x256xf32, #tpu.memory_space<hbm>>
      %dma_start3A_28 = arith.constant 0 : i32
      %dma_start3A_29 = arith.constant 0 : i32
      %dma_start3A_30 = tpu.memref_slice %arg3[%add3A, %run_scoped3A_3, %dma_start3A_28, %dma_start3A_29] : memref<32x12x256x256xf32, #tpu.memory_space<hbm>> -> memref<1x1x256x256xf32, #tpu.memory_space<hbm>>
      %dma_start3A_31 = tpu.memref_squeeze %dma_start3A_30 : memref<1x1x256x256xf32, #tpu.memory_space<hbm>> -> memref<256x256xf32, #tpu.memory_space<hbm>>
      tpu.enqueue_dma source(%arg5 : memref<256x256xf32, #tpu.memory_space<vmem>>) target(%dma_start3A_31 : memref<256x256xf32, #tpu.memory_space<hbm>>) target_semaphore(%run_scoped3A_24 : memref<!tpu.dma_semaphore, #tpu.memory_space<semaphore_mem>>)
      %dma_wait3A = arith.constant 0 : i32
      %dma_wait3A_32 = arith.constant 0 : i32
      %dma_wait3A_33 = tpu.memref_slice %arg3[%add3A, %run_scoped3A_3, %dma_wait3A, %dma_wait3A_32] : memref<32x12x256x256xf32, #tpu.memory_space<hbm>> -> memref<1x1x256x256xf32, #tpu.memory_space<hbm>>
      %dma_wait3A_34 = tpu.memref_squeeze %dma_wait3A_33 : memref<1x1x256x256xf32, #tpu.memory_space<hbm>> -> memref<256x256xf32, #tpu.memory_space<hbm>>
      %dma_wait3A_35 = arith.constant 0 : i32
      %dma_wait3A_36 = arith.constant 0 : i32
      %dma_wait3A_37 = tpu.memref_slice %arg3[%add3A, %run_scoped3A_3, %dma_wait3A_35, %dma_wait3A_36] : memref<32x12x256x256xf32, #tpu.memory_space<hbm>> -> memref<1x1x256x256xf32, #tpu.memory_space<hbm>>
      %dma_wait3A_38 = tpu.memref_squeeze %dma_wait3A_37 : memref<1x1x256x256xf32, #tpu.memory_space<hbm>> -> memref<256x256xf32, #tpu.memory_space<hbm>>
      tpu.wait_dma2 semaphore(%run_scoped3A_24 : memref<!tpu.dma_semaphore, #tpu.memory_space<semaphore_mem>>) src(%arg5 : memref<256x256xf32, #tpu.memory_space<vmem>>) dst(%dma_wait3A_38 : memref<256x256xf32, #tpu.memory_space<hbm>>)
      tpu.yield
    }) : () -> ()
    %run_scoped3A_4 = arith.constant 2 : i32
    "tpu.region"() ({
      %run_scoped3A_24 = tpu.sem_alloc : memref<!tpu.dma_semaphore, #tpu.memory_space<semaphore_mem>>
      %dma_start3A = arith.constant 0 : i32
      %dma_start3A_25 = arith.constant 0 : i32
      %dma_start3A_26 = tpu.memref_slice %arg2[%add3A, %run_scoped3A_4, %dma_start3A, %dma_start3A_25] : memref<32x12x256x256xf32, #tpu.memory_space<hbm>> -> memref<1x1x256x256xf32, #tpu.memory_space<hbm>>
      %dma_start3A_27 = tpu.memref_squeeze %dma_start3A_26 : memref<1x1x256x256xf32, #tpu.memory_space<hbm>> -> memref<256x256xf32, #tpu.memory_space<hbm>>
      %dma_start3A_28 = arith.constant 0 : i32
      %dma_start3A_29 = arith.constant 0 : i32
      %dma_start3A_30 = tpu.memref_slice %arg2[%add3A, %run_scoped3A_4, %dma_start3A_28, %dma_start3A_29] : memref<32x12x256x256xf32, #tpu.memory_space<hbm>> -> memref<1x1x256x256xf32, #tpu.memory_space<hbm>>
      %dma_start3A_31 = tpu.memref_squeeze %dma_start3A_30 : memref<1x1x256x256xf32, #tpu.memory_space<hbm>> -> memref<256x256xf32, #tpu.memory_space<hbm>>
      tpu.enqueue_dma source(%dma_start3A_31 : memref<256x256xf32, #tpu.memory_space<hbm>>) target(%arg4 : memref<256x256xf32, #tpu.memory_space<vmem>>) target_semaphore(%run_scoped3A_24 : memref<!tpu.dma_semaphore, #tpu.memory_space<semaphore_mem>>)
      %dma_wait3A = arith.constant 0 : i32
      %dma_wait3A_32 = arith.constant 0 : i32
      %dma_wait3A_33 = tpu.memref_slice %arg2[%add3A, %run_scoped3A_4, %dma_wait3A, %dma_wait3A_32] : memref<32x12x256x256xf32, #tpu.memory_space<hbm>> -> memref<1x1x256x256xf32, #tpu.memory_space<hbm>>
      %dma_wait3A_34 = tpu.memref_squeeze %dma_wait3A_33 : memref<1x1x256x256xf32, #tpu.memory_space<hbm>> -> memref<256x256xf32, #tpu.memory_space<hbm>>
      %dma_wait3A_35 = arith.constant 0 : i32
      %dma_wait3A_36 = arith.constant 0 : i32
      %dma_wait3A_37 = tpu.memref_slice %arg2[%add3A, %run_scoped3A_4, %dma_wait3A_35, %dma_wait3A_36] : memref<32x12x256x256xf32, #tpu.memory_space<hbm>> -> memref<1x1x256x256xf32, #tpu.memory_space<hbm>>
      %dma_wait3A_38 = tpu.memref_squeeze %dma_wait3A_37 : memref<1x1x256x256xf32, #tpu.memory_space<hbm>> -> memref<256x256xf32, #tpu.memory_space<hbm>>
      tpu.wait_dma2 semaphore(%run_scoped3A_24 : memref<!tpu.dma_semaphore, #tpu.memory_space<semaphore_mem>>) src(%dma_wait3A_38 : memref<256x256xf32, #tpu.memory_space<hbm>>) dst(%arg4 : memref<256x256xf32, #tpu.memory_space<vmem>>)
      tpu.yield
    }) : () -> ()
    %run_scoped3A_5 = arith.constant 2 : i32
    "tpu.region"() ({
      %run_scoped3A_24 = tpu.sem_alloc : memref<!tpu.dma_semaphore, #tpu.memory_space<semaphore_mem>>
      %dma_start3A = arith.constant 0 : i32
      %dma_start3A_25 = arith.constant 0 : i32
      %dma_start3A_26 = tpu.memref_slice %arg3[%add3A, %run_scoped3A_5, %dma_start3A, %dma_start3A_25] : memref<32x12x256x256xf32, #tpu.memory_space<hbm>> -> memref<1x1x256x256xf32, #tpu.memory_space<hbm>>
      %dma_start3A_27 = tpu.memref_squeeze %dma_start3A_26 : memref<1x1x256x256xf32, #tpu.memory_space<hbm>> -> memref<256x256xf32, #tpu.memory_space<hbm>>
      %dma_start3A_28 = arith.constant 0 : i32
      %dma_start3A_29 = arith.constant 0 : i32
      %dma_start3A_30 = tpu.memref_slice %arg3[%add3A, %run_scoped3A_5, %dma_start3A_28, %dma_start3A_29] : memref<32x12x256x256xf32, #tpu.memory_space<hbm>> -> memref<1x1x256x256xf32, #tpu.memory_space<hbm>>
      %dma_start3A_31 = tpu.memref_squeeze %dma_start3A_30 : memref<1x1x256x256xf32, #tpu.memory_space<hbm>> -> memref<256x256xf32, #tpu.memory_space<hbm>>
      tpu.enqueue_dma source(%arg4 : memref<256x256xf32, #tpu.memory_space<vmem>>) target(%dma_start3A_31 : memref<256x256xf32, #tpu.memory_space<hbm>>) target_semaphore(%run_scoped3A_24 : memref<!tpu.dma_semaphore, #tpu.memory_space<semaphore_mem>>)
      %dma_wait3A = arith.constant 0 : i32
      %dma_wait3A_32 = arith.constant 0 : i32
      %dma_wait3A_33 = tpu.memref_slice %arg3[%add3A, %run_scoped3A_5, %dma_wait3A, %dma_wait3A_32] : memref<32x12x256x256xf32, #tpu.memory_space<hbm>> -> memref<1x1x256x256xf32, #tpu.memory_space<hbm>>
      %dma_wait3A_34 = tpu.memref_squeeze %dma_wait3A_33 : memref<1x1x256x256xf32, #tpu.memory_space<hbm>> -> memref<256x256xf32, #tpu.memory_space<hbm>>
      %dma_wait3A_35 = arith.constant 0 : i32
      %dma_wait3A_36 = arith.constant 0 : i32
      %dma_wait3A_37 = tpu.memref_slice %arg3[%add3A, %run_scoped3A_5, %dma_wait3A_35, %dma_wait3A_36] : memref<32x12x256x256xf32, #tpu.memory_space<hbm>> -> memref<1x1x256x256xf32, #tpu.memory_space<hbm>>
      %dma_wait3A_38 = tpu.memref_squeeze %dma_wait3A_37 : memref<1x1x256x256xf32, #tpu.memory_space<hbm>> -> memref<256x256xf32, #tpu.memory_space<hbm>>
      tpu.wait_dma2 semaphore(%run_scoped3A_24 : memref<!tpu.dma_semaphore, #tpu.memory_space<semaphore_mem>>) src(%arg4 : memref<256x256xf32, #tpu.memory_space<vmem>>) dst(%dma_wait3A_38 : memref<256x256xf32, #tpu.memory_space<hbm>>)
      tpu.yield
    }) : () -> ()
    %run_scoped3A_6 = arith.constant 3 : i32
    "tpu.region"() ({
      %run_scoped3A_24 = tpu.sem_alloc : memref<!tpu.dma_semaphore, #tpu.memory_space<semaphore_mem>>
      %dma_start3A = arith.constant 0 : i32
      %dma_start3A_25 = arith.constant 0 : i32
      %dma_start3A_26 = tpu.memref_slice %arg2[%add3A, %run_scoped3A_6, %dma_start3A, %dma_start3A_25] : memref<32x12x256x256xf32, #tpu.memory_space<hbm>> -> memref<1x1x256x256xf32, #tpu.memory_space<hbm>>
      %dma_start3A_27 = tpu.memref_squeeze %dma_start3A_26 : memref<1x1x256x256xf32, #tpu.memory_space<hbm>> -> memref<256x256xf32, #tpu.memory_space<hbm>>
      %dma_start3A_28 = arith.constant 0 : i32
      %dma_start3A_29 = arith.constant 0 : i32
      %dma_start3A_30 = tpu.memref_slice %arg2[%add3A, %run_scoped3A_6, %dma_start3A_28, %dma_start3A_29] : memref<32x12x256x256xf32, #tpu.memory_space<hbm>> -> memref<1x1x256x256xf32, #tpu.memory_space<hbm>>
      %dma_start3A_31 = tpu.memref_squeeze %dma_start3A_30 : memref<1x1x256x256xf32, #tpu.memory_space<hbm>> -> memref<256x256xf32, #tpu.memory_space<hbm>>
      tpu.enqueue_dma source(%dma_start3A_31 : memref<256x256xf32, #tpu.memory_space<hbm>>) target(%arg5 : memref<256x256xf32, #tpu.memory_space<vmem>>) target_semaphore(%run_scoped3A_24 : memref<!tpu.dma_semaphore, #tpu.memory_space<semaphore_mem>>)
      %dma_wait3A = arith.constant 0 : i32
      %dma_wait3A_32 = arith.constant 0 : i32
      %dma_wait3A_33 = tpu.memref_slice %arg2[%add3A, %run_scoped3A_6, %dma_wait3A, %dma_wait3A_32] : memref<32x12x256x256xf32, #tpu.memory_space<hbm>> -> memref<1x1x256x256xf32, #tpu.memory_space<hbm>>
      %dma_wait3A_34 = tpu.memref_squeeze %dma_wait3A_33 : memref<1x1x256x256xf32, #tpu.memory_space<hbm>> -> memref<256x256xf32, #tpu.memory_space<hbm>>
      %dma_wait3A_35 = arith.constant 0 : i32
      %dma_wait3A_36 = arith.constant 0 : i32
      %dma_wait3A_37 = tpu.memref_slice %arg2[%add3A, %run_scoped3A_6, %dma_wait3A_35, %dma_wait3A_36] : memref<32x12x256x256xf32, #tpu.memory_space<hbm>> -> memref<1x1x256x256xf32, #tpu.memory_space<hbm>>
      %dma_wait3A_38 = tpu.memref_squeeze %dma_wait3A_37 : memref<1x1x256x256xf32, #tpu.memory_space<hbm>> -> memref<256x256xf32, #tpu.memory_space<hbm>>
      tpu.wait_dma2 semaphore(%run_scoped3A_24 : memref<!tpu.dma_semaphore, #tpu.memory_space<semaphore_mem>>) src(%dma_wait3A_38 : memref<256x256xf32, #tpu.memory_space<hbm>>) dst(%arg5 : memref<256x256xf32, #tpu.memory_space<vmem>>)
      tpu.yield
    }) : () -> ()
    %run_scoped3A_7 = arith.constant 3 : i32
    "tpu.region"() ({
      %run_scoped3A_24 = tpu.sem_alloc : memref<!tpu.dma_semaphore, #tpu.memory_space<semaphore_mem>>
      %dma_start3A = arith.constant 0 : i32
      %dma_start3A_25 = arith.constant 0 : i32
      %dma_start3A_26 = tpu.memref_slice %arg3[%add3A, %run_scoped3A_7, %dma_start3A, %dma_start3A_25] : memref<32x12x256x256xf32, #tpu.memory_space<hbm>> -> memref<1x1x256x256xf32, #tpu.memory_space<hbm>>
      %dma_start3A_27 = tpu.memref_squeeze %dma_start3A_26 : memref<1x1x256x256xf32, #tpu.memory_space<hbm>> -> memref<256x256xf32, #tpu.memory_space<hbm>>
      %dma_start3A_28 = arith.constant 0 : i32
      %dma_start3A_29 = arith.constant 0 : i32
      %dma_start3A_30 = tpu.memref_slice %arg3[%add3A, %run_scoped3A_7, %dma_start3A_28, %dma_start3A_29] : memref<32x12x256x256xf32, #tpu.memory_space<hbm>> -> memref<1x1x256x256xf32, #tpu.memory_space<hbm>>
      %dma_start3A_31 = tpu.memref_squeeze %dma_start3A_30 : memref<1x1x256x256xf32, #tpu.memory_space<hbm>> -> memref<256x256xf32, #tpu.memory_space<hbm>>
      tpu.enqueue_dma source(%arg5 : memref<256x256xf32, #tpu.memory_space<vmem>>) target(%dma_start3A_31 : memref<256x256xf32, #tpu.memory_space<hbm>>) target_semaphore(%run_scoped3A_24 : memref<!tpu.dma_semaphore, #tpu.memory_space<semaphore_mem>>)
      %dma_wait3A = arith.constant 0 : i32
      %dma_wait3A_32 = arith.constant 0 : i32
      %dma_wait3A_33 = tpu.memref_slice %arg3[%add3A, %run_scoped3A_7, %dma_wait3A, %dma_wait3A_32] : memref<32x12x256x256xf32, #tpu.memory_space<hbm>> -> memref<1x1x256x256xf32, #tpu.memory_space<hbm>>
      %dma_wait3A_34 = tpu.memref_squeeze %dma_wait3A_33 : memref<1x1x256x256xf32, #tpu.memory_space<hbm>> -> memref<256x256xf32, #tpu.memory_space<hbm>>
      %dma_wait3A_35 = arith.constant 0 : i32
      %dma_wait3A_36 = arith.constant 0 : i32
      %dma_wait3A_37 = tpu.memref_slice %arg3[%add3A, %run_scoped3A_7, %dma_wait3A_35, %dma_wait3A_36] : memref<32x12x256x256xf32, #tpu.memory_space<hbm>> -> memref<1x1x256x256xf32, #tpu.memory_space<hbm>>
      %dma_wait3A_38 = tpu.memref_squeeze %dma_wait3A_37 : memref<1x1x256x256xf32, #tpu.memory_space<hbm>> -> memref<256x256xf32, #tpu.memory_space<hbm>>
      tpu.wait_dma2 semaphore(%run_scoped3A_24 : memref<!tpu.dma_semaphore, #tpu.memory_space<semaphore_mem>>) src(%arg5 : memref<256x256xf32, #tpu.memory_space<vmem>>) dst(%dma_wait3A_38 : memref<256x256xf32, #tpu.memory_space<hbm>>)
      tpu.yield
    }) : () -> ()
    %run_scoped3A_8 = arith.constant 4 : i32
    "tpu.region"() ({
      %run_scoped3A_24 = tpu.sem_alloc : memref<!tpu.dma_semaphore, #tpu.memory_space<semaphore_mem>>
      %dma_start3A = arith.constant 0 : i32
      %dma_start3A_25 = arith.constant 0 : i32
      %dma_start3A_26 = tpu.memref_slice %arg2[%add3A, %run_scoped3A_8, %dma_start3A, %dma_start3A_25] : memref<32x12x256x256xf32, #tpu.memory_space<hbm>> -> memref<1x1x256x256xf32, #tpu.memory_space<hbm>>
      %dma_start3A_27 = tpu.memref_squeeze %dma_start3A_26 : memref<1x1x256x256xf32, #tpu.memory_space<hbm>> -> memref<256x256xf32, #tpu.memory_space<hbm>>
      %dma_start3A_28 = arith.constant 0 : i32
      %dma_start3A_29 = arith.constant 0 : i32
      %dma_start3A_30 = tpu.memref_slice %arg2[%add3A, %run_scoped3A_8, %dma_start3A_28, %dma_start3A_29] : memref<32x12x256x256xf32, #tpu.memory_space<hbm>> -> memref<1x1x256x256xf32, #tpu.memory_space<hbm>>
      %dma_start3A_31 = tpu.memref_squeeze %dma_start3A_30 : memref<1x1x256x256xf32, #tpu.memory_space<hbm>> -> memref<256x256xf32, #tpu.memory_space<hbm>>
      tpu.enqueue_dma source(%dma_start3A_31 : memref<256x256xf32, #tpu.memory_space<hbm>>) target(%arg4 : memref<256x256xf32, #tpu.memory_space<vmem>>) target_semaphore(%run_scoped3A_24 : memref<!tpu.dma_semaphore, #tpu.memory_space<semaphore_mem>>)
      %dma_wait3A = arith.constant 0 : i32
      %dma_wait3A_32 = arith.constant 0 : i32
      %dma_wait3A_33 = tpu.memref_slice %arg2[%add3A, %run_scoped3A_8, %dma_wait3A, %dma_wait3A_32] : memref<32x12x256x256xf32, #tpu.memory_space<hbm>> -> memref<1x1x256x256xf32, #tpu.memory_space<hbm>>
      %dma_wait3A_34 = tpu.memref_squeeze %dma_wait3A_33 : memref<1x1x256x256xf32, #tpu.memory_space<hbm>> -> memref<256x256xf32, #tpu.memory_space<hbm>>
      %dma_wait3A_35 = arith.constant 0 : i32
      %dma_wait3A_36 = arith.constant 0 : i32
      %dma_wait3A_37 = tpu.memref_slice %arg2[%add3A, %run_scoped3A_8, %dma_wait3A_35, %dma_wait3A_36] : memref<32x12x256x256xf32, #tpu.memory_space<hbm>> -> memref<1x1x256x256xf32, #tpu.memory_space<hbm>>
      %dma_wait3A_38 = tpu.memref_squeeze %dma_wait3A_37 : memref<1x1x256x256xf32, #tpu.memory_space<hbm>> -> memref<256x256xf32, #tpu.memory_space<hbm>>
      tpu.wait_dma2 semaphore(%run_scoped3A_24 : memref<!tpu.dma_semaphore, #tpu.memory_space<semaphore_mem>>) src(%dma_wait3A_38 : memref<256x256xf32, #tpu.memory_space<hbm>>) dst(%arg4 : memref<256x256xf32, #tpu.memory_space<vmem>>)
      tpu.yield
    }) : () -> ()
    %run_scoped3A_9 = arith.constant 4 : i32
    "tpu.region"() ({
      %run_scoped3A_24 = tpu.sem_alloc : memref<!tpu.dma_semaphore, #tpu.memory_space<semaphore_mem>>
      %dma_start3A = arith.constant 0 : i32
      %dma_start3A_25 = arith.constant 0 : i32
      %dma_start3A_26 = tpu.memref_slice %arg3[%add3A, %run_scoped3A_9, %dma_start3A, %dma_start3A_25] : memref<32x12x256x256xf32, #tpu.memory_space<hbm>> -> memref<1x1x256x256xf32, #tpu.memory_space<hbm>>
      %dma_start3A_27 = tpu.memref_squeeze %dma_start3A_26 : memref<1x1x256x256xf32, #tpu.memory_space<hbm>> -> memref<256x256xf32, #tpu.memory_space<hbm>>
      %dma_start3A_28 = arith.constant 0 : i32
      %dma_start3A_29 = arith.constant 0 : i32
      %dma_start3A_30 = tpu.memref_slice %arg3[%add3A, %run_scoped3A_9, %dma_start3A_28, %dma_start3A_29] : memref<32x12x256x256xf32, #tpu.memory_space<hbm>> -> memref<1x1x256x256xf32, #tpu.memory_space<hbm>>
      %dma_start3A_31 = tpu.memref_squeeze %dma_start3A_30 : memref<1x1x256x256xf32, #tpu.memory_space<hbm>> -> memref<256x256xf32, #tpu.memory_space<hbm>>
      tpu.enqueue_dma source(%arg4 : memref<256x256xf32, #tpu.memory_space<vmem>>) target(%dma_start3A_31 : memref<256x256xf32, #tpu.memory_space<hbm>>) target_semaphore(%run_scoped3A_24 : memref<!tpu.dma_semaphore, #tpu.memory_space<semaphore_mem>>)
      %dma_wait3A = arith.constant 0 : i32
      %dma_wait3A_32 = arith.constant 0 : i32
      %dma_wait3A_33 = tpu.memref_slice %arg3[%add3A, %run_scoped3A_9, %dma_wait3A, %dma_wait3A_32] : memref<32x12x256x256xf32, #tpu.memory_space<hbm>> -> memref<1x1x256x256xf32, #tpu.memory_space<hbm>>
      %dma_wait3A_34 = tpu.memref_squeeze %dma_wait3A_33 : memref<1x1x256x256xf32, #tpu.memory_space<hbm>> -> memref<256x256xf32, #tpu.memory_space<hbm>>
      %dma_wait3A_35 = arith.constant 0 : i32
      %dma_wait3A_36 = arith.constant 0 : i32
      %dma_wait3A_37 = tpu.memref_slice %arg3[%add3A, %run_scoped3A_9, %dma_wait3A_35, %dma_wait3A_36] : memref<32x12x256x256xf32, #tpu.memory_space<hbm>> -> memref<1x1x256x256xf32, #tpu.memory_space<hbm>>
      %dma_wait3A_38 = tpu.memref_squeeze %dma_wait3A_37 : memref<1x1x256x256xf32, #tpu.memory_space<hbm>> -> memref<256x256xf32, #tpu.memory_space<hbm>>
      tpu.wait_dma2 semaphore(%run_scoped3A_24 : memref<!tpu.dma_semaphore, #tpu.memory_space<semaphore_mem>>) src(%arg4 : memref<256x256xf32, #tpu.memory_space<vmem>>) dst(%dma_wait3A_38 : memref<256x256xf32, #tpu.memory_space<hbm>>)
      tpu.yield
    }) : () -> ()
    %run_scoped3A_10 = arith.constant 5 : i32
    "tpu.region"() ({
      %run_scoped3A_24 = tpu.sem_alloc : memref<!tpu.dma_semaphore, #tpu.memory_space<semaphore_mem>>
      %dma_start3A = arith.constant 0 : i32
      %dma_start3A_25 = arith.constant 0 : i32
      %dma_start3A_26 = tpu.memref_slice %arg2[%add3A, %run_scoped3A_10, %dma_start3A, %dma_start3A_25] : memref<32x12x256x256xf32, #tpu.memory_space<hbm>> -> memref<1x1x256x256xf32, #tpu.memory_space<hbm>>
      %dma_start3A_27 = tpu.memref_squeeze %dma_start3A_26 : memref<1x1x256x256xf32, #tpu.memory_space<hbm>> -> memref<256x256xf32, #tpu.memory_space<hbm>>
      %dma_start3A_28 = arith.constant 0 : i32
      %dma_start3A_29 = arith.constant 0 : i32
      %dma_start3A_30 = tpu.memref_slice %arg2[%add3A, %run_scoped3A_10, %dma_start3A_28, %dma_start3A_29] : memref<32x12x256x256xf32, #tpu.memory_space<hbm>> -> memref<1x1x256x256xf32, #tpu.memory_space<hbm>>
      %dma_start3A_31 = tpu.memref_squeeze %dma_start3A_30 : memref<1x1x256x256xf32, #tpu.memory_space<hbm>> -> memref<256x256xf32, #tpu.memory_space<hbm>>
      tpu.enqueue_dma source(%dma_start3A_31 : memref<256x256xf32, #tpu.memory_space<hbm>>) target(%arg5 : memref<256x256xf32, #tpu.memory_space<vmem>>) target_semaphore(%run_scoped3A_24 : memref<!tpu.dma_semaphore, #tpu.memory_space<semaphore_mem>>)
      %dma_wait3A = arith.constant 0 : i32
      %dma_wait3A_32 = arith.constant 0 : i32
      %dma_wait3A_33 = tpu.memref_slice %arg2[%add3A, %run_scoped3A_10, %dma_wait3A, %dma_wait3A_32] : memref<32x12x256x256xf32, #tpu.memory_space<hbm>> -> memref<1x1x256x256xf32, #tpu.memory_space<hbm>>
      %dma_wait3A_34 = tpu.memref_squeeze %dma_wait3A_33 : memref<1x1x256x256xf32, #tpu.memory_space<hbm>> -> memref<256x256xf32, #tpu.memory_space<hbm>>
      %dma_wait3A_35 = arith.constant 0 : i32
      %dma_wait3A_36 = arith.constant 0 : i32
      %dma_wait3A_37 = tpu.memref_slice %arg2[%add3A, %run_scoped3A_10, %dma_wait3A_35, %dma_wait3A_36] : memref<32x12x256x256xf32, #tpu.memory_space<hbm>> -> memref<1x1x256x256xf32, #tpu.memory_space<hbm>>
      %dma_wait3A_38 = tpu.memref_squeeze %dma_wait3A_37 : memref<1x1x256x256xf32, #tpu.memory_space<hbm>> -> memref<256x256xf32, #tpu.memory_space<hbm>>
      tpu.wait_dma2 semaphore(%run_scoped3A_24 : memref<!tpu.dma_semaphore, #tpu.memory_space<semaphore_mem>>) src(%dma_wait3A_38 : memref<256x256xf32, #tpu.memory_space<hbm>>) dst(%arg5 : memref<256x256xf32, #tpu.memory_space<vmem>>)
      tpu.yield
    }) : () -> ()
    %run_scoped3A_11 = arith.constant 5 : i32
    "tpu.region"() ({
      %run_scoped3A_24 = tpu.sem_alloc : memref<!tpu.dma_semaphore, #tpu.memory_space<semaphore_mem>>
      %dma_start3A = arith.constant 0 : i32
      %dma_start3A_25 = arith.constant 0 : i32
      %dma_start3A_26 = tpu.memref_slice %arg3[%add3A, %run_scoped3A_11, %dma_start3A, %dma_start3A_25] : memref<32x12x256x256xf32, #tpu.memory_space<hbm>> -> memref<1x1x256x256xf32, #tpu.memory_space<hbm>>
      %dma_start3A_27 = tpu.memref_squeeze %dma_start3A_26 : memref<1x1x256x256xf32, #tpu.memory_space<hbm>> -> memref<256x256xf32, #tpu.memory_space<hbm>>
      %dma_start3A_28 = arith.constant 0 : i32
      %dma_start3A_29 = arith.constant 0 : i32
      %dma_start3A_30 = tpu.memref_slice %arg3[%add3A, %run_scoped3A_11, %dma_start3A_28, %dma_start3A_29] : memref<32x12x256x256xf32, #tpu.memory_space<hbm>> -> memref<1x1x256x256xf32, #tpu.memory_space<hbm>>
      %dma_start3A_31 = tpu.memref_squeeze %dma_start3A_30 : memref<1x1x256x256xf32, #tpu.memory_space<hbm>> -> memref<256x256xf32, #tpu.memory_space<hbm>>
      tpu.enqueue_dma source(%arg5 : memref<256x256xf32, #tpu.memory_space<vmem>>) target(%dma_start3A_31 : memref<256x256xf32, #tpu.memory_space<hbm>>) target_semaphore(%run_scoped3A_24 : memref<!tpu.dma_semaphore, #tpu.memory_space<semaphore_mem>>)
      %dma_wait3A = arith.constant 0 : i32
      %dma_wait3A_32 = arith.constant 0 : i32
      %dma_wait3A_33 = tpu.memref_slice %arg3[%add3A, %run_scoped3A_11, %dma_wait3A, %dma_wait3A_32] : memref<32x12x256x256xf32, #tpu.memory_space<hbm>> -> memref<1x1x256x256xf32, #tpu.memory_space<hbm>>
      %dma_wait3A_34 = tpu.memref_squeeze %dma_wait3A_33 : memref<1x1x256x256xf32, #tpu.memory_space<hbm>> -> memref<256x256xf32, #tpu.memory_space<hbm>>
      %dma_wait3A_35 = arith.constant 0 : i32
      %dma_wait3A_36 = arith.constant 0 : i32
      %dma_wait3A_37 = tpu.memref_slice %arg3[%add3A, %run_scoped3A_11, %dma_wait3A_35, %dma_wait3A_36] : memref<32x12x256x256xf32, #tpu.memory_space<hbm>> -> memref<1x1x256x256xf32, #tpu.memory_space<hbm>>
      %dma_wait3A_38 = tpu.memref_squeeze %dma_wait3A_37 : memref<1x1x256x256xf32, #tpu.memory_space<hbm>> -> memref<256x256xf32, #tpu.memory_space<hbm>>
      tpu.wait_dma2 semaphore(%run_scoped3A_24 : memref<!tpu.dma_semaphore, #tpu.memory_space<semaphore_mem>>) src(%arg5 : memref<256x256xf32, #tpu.memory_space<vmem>>) dst(%dma_wait3A_38 : memref<256x256xf32, #tpu.memory_space<hbm>>)
      tpu.yield
    }) : () -> ()
    %run_scoped3A_12 = arith.constant 6 : i32
    "tpu.region"() ({
      %run_scoped3A_24 = tpu.sem_alloc : memref<!tpu.dma_semaphore, #tpu.memory_space<semaphore_mem>>
      %dma_start3A = arith.constant 0 : i32
      %dma_start3A_25 = arith.constant 0 : i32
      %dma_start3A_26 = tpu.memref_slice %arg2[%add3A, %run_scoped3A_12, %dma_start3A, %dma_start3A_25] : memref<32x12x256x256xf32, #tpu.memory_space<hbm>> -> memref<1x1x256x256xf32, #tpu.memory_space<hbm>>
      %dma_start3A_27 = tpu.memref_squeeze %dma_start3A_26 : memref<1x1x256x256xf32, #tpu.memory_space<hbm>> -> memref<256x256xf32, #tpu.memory_space<hbm>>
      %dma_start3A_28 = arith.constant 0 : i32
      %dma_start3A_29 = arith.constant 0 : i32
      %dma_start3A_30 = tpu.memref_slice %arg2[%add3A, %run_scoped3A_12, %dma_start3A_28, %dma_start3A_29] : memref<32x12x256x256xf32, #tpu.memory_space<hbm>> -> memref<1x1x256x256xf32, #tpu.memory_space<hbm>>
      %dma_start3A_31 = tpu.memref_squeeze %dma_start3A_30 : memref<1x1x256x256xf32, #tpu.memory_space<hbm>> -> memref<256x256xf32, #tpu.memory_space<hbm>>
      tpu.enqueue_dma source(%dma_start3A_31 : memref<256x256xf32, #tpu.memory_space<hbm>>) target(%arg4 : memref<256x256xf32, #tpu.memory_space<vmem>>) target_semaphore(%run_scoped3A_24 : memref<!tpu.dma_semaphore, #tpu.memory_space<semaphore_mem>>)
      %dma_wait3A = arith.constant 0 : i32
      %dma_wait3A_32 = arith.constant 0 : i32
      %dma_wait3A_33 = tpu.memref_slice %arg2[%add3A, %run_scoped3A_12, %dma_wait3A, %dma_wait3A_32] : memref<32x12x256x256xf32, #tpu.memory_space<hbm>> -> memref<1x1x256x256xf32, #tpu.memory_space<hbm>>
      %dma_wait3A_34 = tpu.memref_squeeze %dma_wait3A_33 : memref<1x1x256x256xf32, #tpu.memory_space<hbm>> -> memref<256x256xf32, #tpu.memory_space<hbm>>
      %dma_wait3A_35 = arith.constant 0 : i32
      %dma_wait3A_36 = arith.constant 0 : i32
      %dma_wait3A_37 = tpu.memref_slice %arg2[%add3A, %run_scoped3A_12, %dma_wait3A_35, %dma_wait3A_36] : memref<32x12x256x256xf32, #tpu.memory_space<hbm>> -> memref<1x1x256x256xf32, #tpu.memory_space<hbm>>
      %dma_wait3A_38 = tpu.memref_squeeze %dma_wait3A_37 : memref<1x1x256x256xf32, #tpu.memory_space<hbm>> -> memref<256x256xf32, #tpu.memory_space<hbm>>
      tpu.wait_dma2 semaphore(%run_scoped3A_24 : memref<!tpu.dma_semaphore, #tpu.memory_space<semaphore_mem>>) src(%dma_wait3A_38 : memref<256x256xf32, #tpu.memory_space<hbm>>) dst(%arg4 : memref<256x256xf32, #tpu.memory_space<vmem>>)
      tpu.yield
    }) : () -> ()
    %run_scoped3A_13 = arith.constant 6 : i32
    "tpu.region"() ({
      %run_scoped3A_24 = tpu.sem_alloc : memref<!tpu.dma_semaphore, #tpu.memory_space<semaphore_mem>>
      %dma_start3A = arith.constant 0 : i32
      %dma_start3A_25 = arith.constant 0 : i32
      %dma_start3A_26 = tpu.memref_slice %arg3[%add3A, %run_scoped3A_13, %dma_start3A, %dma_start3A_25] : memref<32x12x256x256xf32, #tpu.memory_space<hbm>> -> memref<1x1x256x256xf32, #tpu.memory_space<hbm>>
      %dma_start3A_27 = tpu.memref_squeeze %dma_start3A_26 : memref<1x1x256x256xf32, #tpu.memory_space<hbm>> -> memref<256x256xf32, #tpu.memory_space<hbm>>
      %dma_start3A_28 = arith.constant 0 : i32
      %dma_start3A_29 = arith.constant 0 : i32
      %dma_start3A_30 = tpu.memref_slice %arg3[%add3A, %run_scoped3A_13, %dma_start3A_28, %dma_start3A_29] : memref<32x12x256x256xf32, #tpu.memory_space<hbm>> -> memref<1x1x256x256xf32, #tpu.memory_space<hbm>>
      %dma_start3A_31 = tpu.memref_squeeze %dma_start3A_30 : memref<1x1x256x256xf32, #tpu.memory_space<hbm>> -> memref<256x256xf32, #tpu.memory_space<hbm>>
      tpu.enqueue_dma source(%arg4 : memref<256x256xf32, #tpu.memory_space<vmem>>) target(%dma_start3A_31 : memref<256x256xf32, #tpu.memory_space<hbm>>) target_semaphore(%run_scoped3A_24 : memref<!tpu.dma_semaphore, #tpu.memory_space<semaphore_mem>>)
      %dma_wait3A = arith.constant 0 : i32
      %dma_wait3A_32 = arith.constant 0 : i32
      %dma_wait3A_33 = tpu.memref_slice %arg3[%add3A, %run_scoped3A_13, %dma_wait3A, %dma_wait3A_32] : memref<32x12x256x256xf32, #tpu.memory_space<hbm>> -> memref<1x1x256x256xf32, #tpu.memory_space<hbm>>
      %dma_wait3A_34 = tpu.memref_squeeze %dma_wait3A_33 : memref<1x1x256x256xf32, #tpu.memory_space<hbm>> -> memref<256x256xf32, #tpu.memory_space<hbm>>
      %dma_wait3A_35 = arith.constant 0 : i32
      %dma_wait3A_36 = arith.constant 0 : i32
      %dma_wait3A_37 = tpu.memref_slice %arg3[%add3A, %run_scoped3A_13, %dma_wait3A_35, %dma_wait3A_36] : memref<32x12x256x256xf32, #tpu.memory_space<hbm>> -> memref<1x1x256x256xf32, #tpu.memory_space<hbm>>
      %dma_wait3A_38 = tpu.memref_squeeze %dma_wait3A_37 : memref<1x1x256x256xf32, #tpu.memory_space<hbm>> -> memref<256x256xf32, #tpu.memory_space<hbm>>
      tpu.wait_dma2 semaphore(%run_scoped3A_24 : memref<!tpu.dma_semaphore, #tpu.memory_space<semaphore_mem>>) src(%arg4 : memref<256x256xf32, #tpu.memory_space<vmem>>) dst(%dma_wait3A_38 : memref<256x256xf32, #tpu.memory_space<hbm>>)
      tpu.yield
    }) : () -> ()
    %run_scoped3A_14 = arith.constant 7 : i32
    "tpu.region"() ({
      %run_scoped3A_24 = tpu.sem_alloc : memref<!tpu.dma_semaphore, #tpu.memory_space<semaphore_mem>>
      %dma_start3A = arith.constant 0 : i32
      %dma_start3A_25 = arith.constant 0 : i32
      %dma_start3A_26 = tpu.memref_slice %arg2[%add3A, %run_scoped3A_14, %dma_start3A, %dma_start3A_25] : memref<32x12x256x256xf32, #tpu.memory_space<hbm>> -> memref<1x1x256x256xf32, #tpu.memory_space<hbm>>
      %dma_start3A_27 = tpu.memref_squeeze %dma_start3A_26 : memref<1x1x256x256xf32, #tpu.memory_space<hbm>> -> memref<256x256xf32, #tpu.memory_space<hbm>>
      %dma_start3A_28 = arith.constant 0 : i32
      %dma_start3A_29 = arith.constant 0 : i32
      %dma_start3A_30 = tpu.memref_slice %arg2[%add3A, %run_scoped3A_14, %dma_start3A_28, %dma_start3A_29] : memref<32x12x256x256xf32, #tpu.memory_space<hbm>> -> memref<1x1x256x256xf32, #tpu.memory_space<hbm>>
      %dma_start3A_31 = tpu.memref_squeeze %dma_start3A_30 : memref<1x1x256x256xf32, #tpu.memory_space<hbm>> -> memref<256x256xf32, #tpu.memory_space<hbm>>
      tpu.enqueue_dma source(%dma_start3A_31 : memref<256x256xf32, #tpu.memory_space<hbm>>) target(%arg5 : memref<256x256xf32, #tpu.memory_space<vmem>>) target_semaphore(%run_scoped3A_24 : memref<!tpu.dma_semaphore, #tpu.memory_space<semaphore_mem>>)
      %dma_wait3A = arith.constant 0 : i32
      %dma_wait3A_32 = arith.constant 0 : i32
      %dma_wait3A_33 = tpu.memref_slice %arg2[%add3A, %run_scoped3A_14, %dma_wait3A, %dma_wait3A_32] : memref<32x12x256x256xf32, #tpu.memory_space<hbm>> -> memref<1x1x256x256xf32, #tpu.memory_space<hbm>>
      %dma_wait3A_34 = tpu.memref_squeeze %dma_wait3A_33 : memref<1x1x256x256xf32, #tpu.memory_space<hbm>> -> memref<256x256xf32, #tpu.memory_space<hbm>>
      %dma_wait3A_35 = arith.constant 0 : i32
      %dma_wait3A_36 = arith.constant 0 : i32
      %dma_wait3A_37 = tpu.memref_slice %arg2[%add3A, %run_scoped3A_14, %dma_wait3A_35, %dma_wait3A_36] : memref<32x12x256x256xf32, #tpu.memory_space<hbm>> -> memref<1x1x256x256xf32, #tpu.memory_space<hbm>>
      %dma_wait3A_38 = tpu.memref_squeeze %dma_wait3A_37 : memref<1x1x256x256xf32, #tpu.memory_space<hbm>> -> memref<256x256xf32, #tpu.memory_space<hbm>>
      tpu.wait_dma2 semaphore(%run_scoped3A_24 : memref<!tpu.dma_semaphore, #tpu.memory_space<semaphore_mem>>) src(%dma_wait3A_38 : memref<256x256xf32, #tpu.memory_space<hbm>>) dst(%arg5 : memref<256x256xf32, #tpu.memory_space<vmem>>)
      tpu.yield
    }) : () -> ()
    %run_scoped3A_15 = arith.constant 7 : i32
    "tpu.region"() ({
      %run_scoped3A_24 = tpu.sem_alloc : memref<!tpu.dma_semaphore, #tpu.memory_space<semaphore_mem>>
      %dma_start3A = arith.constant 0 : i32
      %dma_start3A_25 = arith.constant 0 : i32
      %dma_start3A_26 = tpu.memref_slice %arg3[%add3A, %run_scoped3A_15, %dma_start3A, %dma_start3A_25] : memref<32x12x256x256xf32, #tpu.memory_space<hbm>> -> memref<1x1x256x256xf32, #tpu.memory_space<hbm>>
      %dma_start3A_27 = tpu.memref_squeeze %dma_start3A_26 : memref<1x1x256x256xf32, #tpu.memory_space<hbm>> -> memref<256x256xf32, #tpu.memory_space<hbm>>
      %dma_start3A_28 = arith.constant 0 : i32
      %dma_start3A_29 = arith.constant 0 : i32
      %dma_start3A_30 = tpu.memref_slice %arg3[%add3A, %run_scoped3A_15, %dma_start3A_28, %dma_start3A_29] : memref<32x12x256x256xf32, #tpu.memory_space<hbm>> -> memref<1x1x256x256xf32, #tpu.memory_space<hbm>>
      %dma_start3A_31 = tpu.memref_squeeze %dma_start3A_30 : memref<1x1x256x256xf32, #tpu.memory_space<hbm>> -> memref<256x256xf32, #tpu.memory_space<hbm>>
      tpu.enqueue_dma source(%arg5 : memref<256x256xf32, #tpu.memory_space<vmem>>) target(%dma_start3A_31 : memref<256x256xf32, #tpu.memory_space<hbm>>) target_semaphore(%run_scoped3A_24 : memref<!tpu.dma_semaphore, #tpu.memory_space<semaphore_mem>>)
      %dma_wait3A = arith.constant 0 : i32
      %dma_wait3A_32 = arith.constant 0 : i32
      %dma_wait3A_33 = tpu.memref_slice %arg3[%add3A, %run_scoped3A_15, %dma_wait3A, %dma_wait3A_32] : memref<32x12x256x256xf32, #tpu.memory_space<hbm>> -> memref<1x1x256x256xf32, #tpu.memory_space<hbm>>
      %dma_wait3A_34 = tpu.memref_squeeze %dma_wait3A_33 : memref<1x1x256x256xf32, #tpu.memory_space<hbm>> -> memref<256x256xf32, #tpu.memory_space<hbm>>
      %dma_wait3A_35 = arith.constant 0 : i32
      %dma_wait3A_36 = arith.constant 0 : i32
      %dma_wait3A_37 = tpu.memref_slice %arg3[%add3A, %run_scoped3A_15, %dma_wait3A_35, %dma_wait3A_36] : memref<32x12x256x256xf32, #tpu.memory_space<hbm>> -> memref<1x1x256x256xf32, #tpu.memory_space<hbm>>
      %dma_wait3A_38 = tpu.memref_squeeze %dma_wait3A_37 : memref<1x1x256x256xf32, #tpu.memory_space<hbm>> -> memref<256x256xf32, #tpu.memory_space<hbm>>
      tpu.wait_dma2 semaphore(%run_scoped3A_24 : memref<!tpu.dma_semaphore, #tpu.memory_space<semaphore_mem>>) src(%arg5 : memref<256x256xf32, #tpu.memory_space<vmem>>) dst(%dma_wait3A_38 : memref<256x256xf32, #tpu.memory_space<hbm>>)
      tpu.yield
    }) : () -> ()
    %run_scoped3A_16 = arith.constant 8 : i32
    "tpu.region"() ({
      %run_scoped3A_24 = tpu.sem_alloc : memref<!tpu.dma_semaphore, #tpu.memory_space<semaphore_mem>>
      %dma_start3A = arith.constant 0 : i32
      %dma_start3A_25 = arith.constant 0 : i32
      %dma_start3A_26 = tpu.memref_slice %arg2[%add3A, %run_scoped3A_16, %dma_start3A, %dma_start3A_25] : memref<32x12x256x256xf32, #tpu.memory_space<hbm>> -> memref<1x1x256x256xf32, #tpu.memory_space<hbm>>
      %dma_start3A_27 = tpu.memref_squeeze %dma_start3A_26 : memref<1x1x256x256xf32, #tpu.memory_space<hbm>> -> memref<256x256xf32, #tpu.memory_space<hbm>>
      %dma_start3A_28 = arith.constant 0 : i32
      %dma_start3A_29 = arith.constant 0 : i32
      %dma_start3A_30 = tpu.memref_slice %arg2[%add3A, %run_scoped3A_16, %dma_start3A_28, %dma_start3A_29] : memref<32x12x256x256xf32, #tpu.memory_space<hbm>> -> memref<1x1x256x256xf32, #tpu.memory_space<hbm>>
      %dma_start3A_31 = tpu.memref_squeeze %dma_start3A_30 : memref<1x1x256x256xf32, #tpu.memory_space<hbm>> -> memref<256x256xf32, #tpu.memory_space<hbm>>
      tpu.enqueue_dma source(%dma_start3A_31 : memref<256x256xf32, #tpu.memory_space<hbm>>) target(%arg4 : memref<256x256xf32, #tpu.memory_space<vmem>>) target_semaphore(%run_scoped3A_24 : memref<!tpu.dma_semaphore, #tpu.memory_space<semaphore_mem>>)
      %dma_wait3A = arith.constant 0 : i32
      %dma_wait3A_32 = arith.constant 0 : i32
      %dma_wait3A_33 = tpu.memref_slice %arg2[%add3A, %run_scoped3A_16, %dma_wait3A, %dma_wait3A_32] : memref<32x12x256x256xf32, #tpu.memory_space<hbm>> -> memref<1x1x256x256xf32, #tpu.memory_space<hbm>>
      %dma_wait3A_34 = tpu.memref_squeeze %dma_wait3A_33 : memref<1x1x256x256xf32, #tpu.memory_space<hbm>> -> memref<256x256xf32, #tpu.memory_space<hbm>>
      %dma_wait3A_35 = arith.constant 0 : i32
      %dma_wait3A_36 = arith.constant 0 : i32
      %dma_wait3A_37 = tpu.memref_slice %arg2[%add3A, %run_scoped3A_16, %dma_wait3A_35, %dma_wait3A_36] : memref<32x12x256x256xf32, #tpu.memory_space<hbm>> -> memref<1x1x256x256xf32, #tpu.memory_space<hbm>>
      %dma_wait3A_38 = tpu.memref_squeeze %dma_wait3A_37 : memref<1x1x256x256xf32, #tpu.memory_space<hbm>> -> memref<256x256xf32, #tpu.memory_space<hbm>>
      tpu.wait_dma2 semaphore(%run_scoped3A_24 : memref<!tpu.dma_semaphore, #tpu.memory_space<semaphore_mem>>) src(%dma_wait3A_38 : memref<256x256xf32, #tpu.memory_space<hbm>>) dst(%arg4 : memref<256x256xf32, #tpu.memory_space<vmem>>)
      tpu.yield
    }) : () -> ()
    %run_scoped3A_17 = arith.constant 8 : i32
    "tpu.region"() ({
      %run_scoped3A_24 = tpu.sem_alloc : memref<!tpu.dma_semaphore, #tpu.memory_space<semaphore_mem>>
      %dma_start3A = arith.constant 0 : i32
      %dma_start3A_25 = arith.constant 0 : i32
      %dma_start3A_26 = tpu.memref_slice %arg3[%add3A, %run_scoped3A_17, %dma_start3A, %dma_start3A_25] : memref<32x12x256x256xf32, #tpu.memory_space<hbm>> -> memref<1x1x256x256xf32, #tpu.memory_space<hbm>>
      %dma_start3A_27 = tpu.memref_squeeze %dma_start3A_26 : memref<1x1x256x256xf32, #tpu.memory_space<hbm>> -> memref<256x256xf32, #tpu.memory_space<hbm>>
      %dma_start3A_28 = arith.constant 0 : i32
      %dma_start3A_29 = arith.constant 0 : i32
      %dma_start3A_30 = tpu.memref_slice %arg3[%add3A, %run_scoped3A_17, %dma_start3A_28, %dma_start3A_29] : memref<32x12x256x256xf32, #tpu.memory_space<hbm>> -> memref<1x1x256x256xf32, #tpu.memory_space<hbm>>
      %dma_start3A_31 = tpu.memref_squeeze %dma_start3A_30 : memref<1x1x256x256xf32, #tpu.memory_space<hbm>> -> memref<256x256xf32, #tpu.memory_space<hbm>>
      tpu.enqueue_dma source(%arg4 : memref<256x256xf32, #tpu.memory_space<vmem>>) target(%dma_start3A_31 : memref<256x256xf32, #tpu.memory_space<hbm>>) target_semaphore(%run_scoped3A_24 : memref<!tpu.dma_semaphore, #tpu.memory_space<semaphore_mem>>)
      %dma_wait3A = arith.constant 0 : i32
      %dma_wait3A_32 = arith.constant 0 : i32
      %dma_wait3A_33 = tpu.memref_slice %arg3[%add3A, %run_scoped3A_17, %dma_wait3A, %dma_wait3A_32] : memref<32x12x256x256xf32, #tpu.memory_space<hbm>> -> memref<1x1x256x256xf32, #tpu.memory_space<hbm>>
      %dma_wait3A_34 = tpu.memref_squeeze %dma_wait3A_33 : memref<1x1x256x256xf32, #tpu.memory_space<hbm>> -> memref<256x256xf32, #tpu.memory_space<hbm>>
      %dma_wait3A_35 = arith.constant 0 : i32
      %dma_wait3A_36 = arith.constant 0 : i32
      %dma_wait3A_37 = tpu.memref_slice %arg3[%add3A, %run_scoped3A_17, %dma_wait3A_35, %dma_wait3A_36] : memref<32x12x256x256xf32, #tpu.memory_space<hbm>> -> memref<1x1x256x256xf32, #tpu.memory_space<hbm>>
      %dma_wait3A_38 = tpu.memref_squeeze %dma_wait3A_37 : memref<1x1x256x256xf32, #tpu.memory_space<hbm>> -> memref<256x256xf32, #tpu.memory_space<hbm>>
      tpu.wait_dma2 semaphore(%run_scoped3A_24 : memref<!tpu.dma_semaphore, #tpu.memory_space<semaphore_mem>>) src(%arg4 : memref<256x256xf32, #tpu.memory_space<vmem>>) dst(%dma_wait3A_38 : memref<256x256xf32, #tpu.memory_space<hbm>>)
      tpu.yield
    }) : () -> ()
    %run_scoped3A_18 = arith.constant 9 : i32
    "tpu.region"() ({
      %run_scoped3A_24 = tpu.sem_alloc : memref<!tpu.dma_semaphore, #tpu.memory_space<semaphore_mem>>
      %dma_start3A = arith.constant 0 : i32
      %dma_start3A_25 = arith.constant 0 : i32
      %dma_start3A_26 = tpu.memref_slice %arg2[%add3A, %run_scoped3A_18, %dma_start3A, %dma_start3A_25] : memref<32x12x256x256xf32, #tpu.memory_space<hbm>> -> memref<1x1x256x256xf32, #tpu.memory_space<hbm>>
      %dma_start3A_27 = tpu.memref_squeeze %dma_start3A_26 : memref<1x1x256x256xf32, #tpu.memory_space<hbm>> -> memref<256x256xf32, #tpu.memory_space<hbm>>
      %dma_start3A_28 = arith.constant 0 : i32
      %dma_start3A_29 = arith.constant 0 : i32
      %dma_start3A_30 = tpu.memref_slice %arg2[%add3A, %run_scoped3A_18, %dma_start3A_28, %dma_start3A_29] : memref<32x12x256x256xf32, #tpu.memory_space<hbm>> -> memref<1x1x256x256xf32, #tpu.memory_space<hbm>>
      %dma_start3A_31 = tpu.memref_squeeze %dma_start3A_30 : memref<1x1x256x256xf32, #tpu.memory_space<hbm>> -> memref<256x256xf32, #tpu.memory_space<hbm>>
      tpu.enqueue_dma source(%dma_start3A_31 : memref<256x256xf32, #tpu.memory_space<hbm>>) target(%arg5 : memref<256x256xf32, #tpu.memory_space<vmem>>) target_semaphore(%run_scoped3A_24 : memref<!tpu.dma_semaphore, #tpu.memory_space<semaphore_mem>>)
      %dma_wait3A = arith.constant 0 : i32
      %dma_wait3A_32 = arith.constant 0 : i32
      %dma_wait3A_33 = tpu.memref_slice %arg2[%add3A, %run_scoped3A_18, %dma_wait3A, %dma_wait3A_32] : memref<32x12x256x256xf32, #tpu.memory_space<hbm>> -> memref<1x1x256x256xf32, #tpu.memory_space<hbm>>
      %dma_wait3A_34 = tpu.memref_squeeze %dma_wait3A_33 : memref<1x1x256x256xf32, #tpu.memory_space<hbm>> -> memref<256x256xf32, #tpu.memory_space<hbm>>
      %dma_wait3A_35 = arith.constant 0 : i32
      %dma_wait3A_36 = arith.constant 0 : i32
      %dma_wait3A_37 = tpu.memref_slice %arg2[%add3A, %run_scoped3A_18, %dma_wait3A_35, %dma_wait3A_36] : memref<32x12x256x256xf32, #tpu.memory_space<hbm>> -> memref<1x1x256x256xf32, #tpu.memory_space<hbm>>
      %dma_wait3A_38 = tpu.memref_squeeze %dma_wait3A_37 : memref<1x1x256x256xf32, #tpu.memory_space<hbm>> -> memref<256x256xf32, #tpu.memory_space<hbm>>
      tpu.wait_dma2 semaphore(%run_scoped3A_24 : memref<!tpu.dma_semaphore, #tpu.memory_space<semaphore_mem>>) src(%dma_wait3A_38 : memref<256x256xf32, #tpu.memory_space<hbm>>) dst(%arg5 : memref<256x256xf32, #tpu.memory_space<vmem>>)
      tpu.yield
    }) : () -> ()
    %run_scoped3A_19 = arith.constant 9 : i32
    "tpu.region"() ({
      %run_scoped3A_24 = tpu.sem_alloc : memref<!tpu.dma_semaphore, #tpu.memory_space<semaphore_mem>>
      %dma_start3A = arith.constant 0 : i32
      %dma_start3A_25 = arith.constant 0 : i32
      %dma_start3A_26 = tpu.memref_slice %arg3[%add3A, %run_scoped3A_19, %dma_start3A, %dma_start3A_25] : memref<32x12x256x256xf32, #tpu.memory_space<hbm>> -> memref<1x1x256x256xf32, #tpu.memory_space<hbm>>
      %dma_start3A_27 = tpu.memref_squeeze %dma_start3A_26 : memref<1x1x256x256xf32, #tpu.memory_space<hbm>> -> memref<256x256xf32, #tpu.memory_space<hbm>>
      %dma_start3A_28 = arith.constant 0 : i32
      %dma_start3A_29 = arith.constant 0 : i32
      %dma_start3A_30 = tpu.memref_slice %arg3[%add3A, %run_scoped3A_19, %dma_start3A_28, %dma_start3A_29] : memref<32x12x256x256xf32, #tpu.memory_space<hbm>> -> memref<1x1x256x256xf32, #tpu.memory_space<hbm>>
      %dma_start3A_31 = tpu.memref_squeeze %dma_start3A_30 : memref<1x1x256x256xf32, #tpu.memory_space<hbm>> -> memref<256x256xf32, #tpu.memory_space<hbm>>
      tpu.enqueue_dma source(%arg5 : memref<256x256xf32, #tpu.memory_space<vmem>>) target(%dma_start3A_31 : memref<256x256xf32, #tpu.memory_space<hbm>>) target_semaphore(%run_scoped3A_24 : memref<!tpu.dma_semaphore, #tpu.memory_space<semaphore_mem>>)
      %dma_wait3A = arith.constant 0 : i32
      %dma_wait3A_32 = arith.constant 0 : i32
      %dma_wait3A_33 = tpu.memref_slice %arg3[%add3A, %run_scoped3A_19, %dma_wait3A, %dma_wait3A_32] : memref<32x12x256x256xf32, #tpu.memory_space<hbm>> -> memref<1x1x256x256xf32, #tpu.memory_space<hbm>>
      %dma_wait3A_34 = tpu.memref_squeeze %dma_wait3A_33 : memref<1x1x256x256xf32, #tpu.memory_space<hbm>> -> memref<256x256xf32, #tpu.memory_space<hbm>>
      %dma_wait3A_35 = arith.constant 0 : i32
      %dma_wait3A_36 = arith.constant 0 : i32
      %dma_wait3A_37 = tpu.memref_slice %arg3[%add3A, %run_scoped3A_19, %dma_wait3A_35, %dma_wait3A_36] : memref<32x12x256x256xf32, #tpu.memory_space<hbm>> -> memref<1x1x256x256xf32, #tpu.memory_space<hbm>>
      %dma_wait3A_38 = tpu.memref_squeeze %dma_wait3A_37 : memref<1x1x256x256xf32, #tpu.memory_space<hbm>> -> memref<256x256xf32, #tpu.memory_space<hbm>>
      tpu.wait_dma2 semaphore(%run_scoped3A_24 : memref<!tpu.dma_semaphore, #tpu.memory_space<semaphore_mem>>) src(%arg5 : memref<256x256xf32, #tpu.memory_space<vmem>>) dst(%dma_wait3A_38 : memref<256x256xf32, #tpu.memory_space<hbm>>)
      tpu.yield
    }) : () -> ()
    %run_scoped3A_20 = arith.constant 10 : i32
    "tpu.region"() ({
      %run_scoped3A_24 = tpu.sem_alloc : memref<!tpu.dma_semaphore, #tpu.memory_space<semaphore_mem>>
      %dma_start3A = arith.constant 0 : i32
      %dma_start3A_25 = arith.constant 0 : i32
      %dma_start3A_26 = tpu.memref_slice %arg2[%add3A, %run_scoped3A_20, %dma_start3A, %dma_start3A_25] : memref<32x12x256x256xf32, #tpu.memory_space<hbm>> -> memref<1x1x256x256xf32, #tpu.memory_space<hbm>>
      %dma_start3A_27 = tpu.memref_squeeze %dma_start3A_26 : memref<1x1x256x256xf32, #tpu.memory_space<hbm>> -> memref<256x256xf32, #tpu.memory_space<hbm>>
      %dma_start3A_28 = arith.constant 0 : i32
      %dma_start3A_29 = arith.constant 0 : i32
      %dma_start3A_30 = tpu.memref_slice %arg2[%add3A, %run_scoped3A_20, %dma_start3A_28, %dma_start3A_29] : memref<32x12x256x256xf32, #tpu.memory_space<hbm>> -> memref<1x1x256x256xf32, #tpu.memory_space<hbm>>
      %dma_start3A_31 = tpu.memref_squeeze %dma_start3A_30 : memref<1x1x256x256xf32, #tpu.memory_space<hbm>> -> memref<256x256xf32, #tpu.memory_space<hbm>>
      tpu.enqueue_dma source(%dma_start3A_31 : memref<256x256xf32, #tpu.memory_space<hbm>>) target(%arg4 : memref<256x256xf32, #tpu.memory_space<vmem>>) target_semaphore(%run_scoped3A_24 : memref<!tpu.dma_semaphore, #tpu.memory_space<semaphore_mem>>)
      %dma_wait3A = arith.constant 0 : i32
      %dma_wait3A_32 = arith.constant 0 : i32
      %dma_wait3A_33 = tpu.memref_slice %arg2[%add3A, %run_scoped3A_20, %dma_wait3A, %dma_wait3A_32] : memref<32x12x256x256xf32, #tpu.memory_space<hbm>> -> memref<1x1x256x256xf32, #tpu.memory_space<hbm>>
      %dma_wait3A_34 = tpu.memref_squeeze %dma_wait3A_33 : memref<1x1x256x256xf32, #tpu.memory_space<hbm>> -> memref<256x256xf32, #tpu.memory_space<hbm>>
      %dma_wait3A_35 = arith.constant 0 : i32
      %dma_wait3A_36 = arith.constant 0 : i32
      %dma_wait3A_37 = tpu.memref_slice %arg2[%add3A, %run_scoped3A_20, %dma_wait3A_35, %dma_wait3A_36] : memref<32x12x256x256xf32, #tpu.memory_space<hbm>> -> memref<1x1x256x256xf32, #tpu.memory_space<hbm>>
      %dma_wait3A_38 = tpu.memref_squeeze %dma_wait3A_37 : memref<1x1x256x256xf32, #tpu.memory_space<hbm>> -> memref<256x256xf32, #tpu.memory_space<hbm>>
      tpu.wait_dma2 semaphore(%run_scoped3A_24 : memref<!tpu.dma_semaphore, #tpu.memory_space<semaphore_mem>>) src(%dma_wait3A_38 : memref<256x256xf32, #tpu.memory_space<hbm>>) dst(%arg4 : memref<256x256xf32, #tpu.memory_space<vmem>>)
      tpu.yield
    }) : () -> ()
    %run_scoped3A_21 = arith.constant 10 : i32
    "tpu.region"() ({
      %run_scoped3A_24 = tpu.sem_alloc : memref<!tpu.dma_semaphore, #tpu.memory_space<semaphore_mem>>
      %dma_start3A = arith.constant 0 : i32
      %dma_start3A_25 = arith.constant 0 : i32
      %dma_start3A_26 = tpu.memref_slice %arg3[%add3A, %run_scoped3A_21, %dma_start3A, %dma_start3A_25] : memref<32x12x256x256xf32, #tpu.memory_space<hbm>> -> memref<1x1x256x256xf32, #tpu.memory_space<hbm>>
      %dma_start3A_27 = tpu.memref_squeeze %dma_start3A_26 : memref<1x1x256x256xf32, #tpu.memory_space<hbm>> -> memref<256x256xf32, #tpu.memory_space<hbm>>
      %dma_start3A_28 = arith.constant 0 : i32
      %dma_start3A_29 = arith.constant 0 : i32
      %dma_start3A_30 = tpu.memref_slice %arg3[%add3A, %run_scoped3A_21, %dma_start3A_28, %dma_start3A_29] : memref<32x12x256x256xf32, #tpu.memory_space<hbm>> -> memref<1x1x256x256xf32, #tpu.memory_space<hbm>>
      %dma_start3A_31 = tpu.memref_squeeze %dma_start3A_30 : memref<1x1x256x256xf32, #tpu.memory_space<hbm>> -> memref<256x256xf32, #tpu.memory_space<hbm>>
      tpu.enqueue_dma source(%arg4 : memref<256x256xf32, #tpu.memory_space<vmem>>) target(%dma_start3A_31 : memref<256x256xf32, #tpu.memory_space<hbm>>) target_semaphore(%run_scoped3A_24 : memref<!tpu.dma_semaphore, #tpu.memory_space<semaphore_mem>>)
      %dma_wait3A = arith.constant 0 : i32
      %dma_wait3A_32 = arith.constant 0 : i32
      %dma_wait3A_33 = tpu.memref_slice %arg3[%add3A, %run_scoped3A_21, %dma_wait3A, %dma_wait3A_32] : memref<32x12x256x256xf32, #tpu.memory_space<hbm>> -> memref<1x1x256x256xf32, #tpu.memory_space<hbm>>
      %dma_wait3A_34 = tpu.memref_squeeze %dma_wait3A_33 : memref<1x1x256x256xf32, #tpu.memory_space<hbm>> -> memref<256x256xf32, #tpu.memory_space<hbm>>
      %dma_wait3A_35 = arith.constant 0 : i32
      %dma_wait3A_36 = arith.constant 0 : i32
      %dma_wait3A_37 = tpu.memref_slice %arg3[%add3A, %run_scoped3A_21, %dma_wait3A_35, %dma_wait3A_36] : memref<32x12x256x256xf32, #tpu.memory_space<hbm>> -> memref<1x1x256x256xf32, #tpu.memory_space<hbm>>
      %dma_wait3A_38 = tpu.memref_squeeze %dma_wait3A_37 : memref<1x1x256x256xf32, #tpu.memory_space<hbm>> -> memref<256x256xf32, #tpu.memory_space<hbm>>
      tpu.wait_dma2 semaphore(%run_scoped3A_24 : memref<!tpu.dma_semaphore, #tpu.memory_space<semaphore_mem>>) src(%arg4 : memref<256x256xf32, #tpu.memory_space<vmem>>) dst(%dma_wait3A_38 : memref<256x256xf32, #tpu.memory_space<hbm>>)
      tpu.yield
    }) : () -> ()
    %run_scoped3A_22 = arith.constant 11 : i32
    "tpu.region"() ({
      %run_scoped3A_24 = tpu.sem_alloc : memref<!tpu.dma_semaphore, #tpu.memory_space<semaphore_mem>>
      %dma_start3A = arith.constant 0 : i32
      %dma_start3A_25 = arith.constant 0 : i32
      %dma_start3A_26 = tpu.memref_slice %arg2[%add3A, %run_scoped3A_22, %dma_start3A, %dma_start3A_25] : memref<32x12x256x256xf32, #tpu.memory_space<hbm>> -> memref<1x1x256x256xf32, #tpu.memory_space<hbm>>
      %dma_start3A_27 = tpu.memref_squeeze %dma_start3A_26 : memref<1x1x256x256xf32, #tpu.memory_space<hbm>> -> memref<256x256xf32, #tpu.memory_space<hbm>>
      %dma_start3A_28 = arith.constant 0 : i32
      %dma_start3A_29 = arith.constant 0 : i32
      %dma_start3A_30 = tpu.memref_slice %arg2[%add3A, %run_scoped3A_22, %dma_start3A_28, %dma_start3A_29] : memref<32x12x256x256xf32, #tpu.memory_space<hbm>> -> memref<1x1x256x256xf32, #tpu.memory_space<hbm>>
      %dma_start3A_31 = tpu.memref_squeeze %dma_start3A_30 : memref<1x1x256x256xf32, #tpu.memory_space<hbm>> -> memref<256x256xf32, #tpu.memory_space<hbm>>
      tpu.enqueue_dma source(%dma_start3A_31 : memref<256x256xf32, #tpu.memory_space<hbm>>) target(%arg5 : memref<256x256xf32, #tpu.memory_space<vmem>>) target_semaphore(%run_scoped3A_24 : memref<!tpu.dma_semaphore, #tpu.memory_space<semaphore_mem>>)
      %dma_wait3A = arith.constant 0 : i32
      %dma_wait3A_32 = arith.constant 0 : i32
      %dma_wait3A_33 = tpu.memref_slice %arg2[%add3A, %run_scoped3A_22, %dma_wait3A, %dma_wait3A_32] : memref<32x12x256x256xf32, #tpu.memory_space<hbm>> -> memref<1x1x256x256xf32, #tpu.memory_space<hbm>>
      %dma_wait3A_34 = tpu.memref_squeeze %dma_wait3A_33 : memref<1x1x256x256xf32, #tpu.memory_space<hbm>> -> memref<256x256xf32, #tpu.memory_space<hbm>>
      %dma_wait3A_35 = arith.constant 0 : i32
      %dma_wait3A_36 = arith.constant 0 : i32
      %dma_wait3A_37 = tpu.memref_slice %arg2[%add3A, %run_scoped3A_22, %dma_wait3A_35, %dma_wait3A_36] : memref<32x12x256x256xf32, #tpu.memory_space<hbm>> -> memref<1x1x256x256xf32, #tpu.memory_space<hbm>>
      %dma_wait3A_38 = tpu.memref_squeeze %dma_wait3A_37 : memref<1x1x256x256xf32, #tpu.memory_space<hbm>> -> memref<256x256xf32, #tpu.memory_space<hbm>>
      tpu.wait_dma2 semaphore(%run_scoped3A_24 : memref<!tpu.dma_semaphore, #tpu.memory_space<semaphore_mem>>) src(%dma_wait3A_38 : memref<256x256xf32, #tpu.memory_space<hbm>>) dst(%arg5 : memref<256x256xf32, #tpu.memory_space<vmem>>)
      tpu.yield
    }) : () -> ()
    %run_scoped3A_23 = arith.constant 11 : i32
    "tpu.region"() ({
      %run_scoped3A_24 = tpu.sem_alloc : memref<!tpu.dma_semaphore, #tpu.memory_space<semaphore_mem>>
      %dma_start3A = arith.constant 0 : i32
      %dma_start3A_25 = arith.constant 0 : i32
      %dma_start3A_26 = tpu.memref_slice %arg3[%add3A, %run_scoped3A_23, %dma_start3A, %dma_start3A_25] : memref<32x12x256x256xf32, #tpu.memory_space<hbm>> -> memref<1x1x256x256xf32, #tpu.memory_space<hbm>>
      %dma_start3A_27 = tpu.memref_squeeze %dma_start3A_26 : memref<1x1x256x256xf32, #tpu.memory_space<hbm>> -> memref<256x256xf32, #tpu.memory_space<hbm>>
      %dma_start3A_28 = arith.constant 0 : i32
      %dma_start3A_29 = arith.constant 0 : i32
      %dma_start3A_30 = tpu.memref_slice %arg3[%add3A, %run_scoped3A_23, %dma_start3A_28, %dma_start3A_29] : memref<32x12x256x256xf32, #tpu.memory_space<hbm>> -> memref<1x1x256x256xf32, #tpu.memory_space<hbm>>
      %dma_start3A_31 = tpu.memref_squeeze %dma_start3A_30 : memref<1x1x256x256xf32, #tpu.memory_space<hbm>> -> memref<256x256xf32, #tpu.memory_space<hbm>>
      tpu.enqueue_dma source(%arg5 : memref<256x256xf32, #tpu.memory_space<vmem>>) target(%dma_start3A_31 : memref<256x256xf32, #tpu.memory_space<hbm>>) target_semaphore(%run_scoped3A_24 : memref<!tpu.dma_semaphore, #tpu.memory_space<semaphore_mem>>)
      %dma_wait3A = arith.constant 0 : i32
      %dma_wait3A_32 = arith.constant 0 : i32
      %dma_wait3A_33 = tpu.memref_slice %arg3[%add3A, %run_scoped3A_23, %dma_wait3A, %dma_wait3A_32] : memref<32x12x256x256xf32, #tpu.memory_space<hbm>> -> memref<1x1x256x256xf32, #tpu.memory_space<hbm>>
      %dma_wait3A_34 = tpu.memref_squeeze %dma_wait3A_33 : memref<1x1x256x256xf32, #tpu.memory_space<hbm>> -> memref<256x256xf32, #tpu.memory_space<hbm>>
      %dma_wait3A_35 = arith.constant 0 : i32
      %dma_wait3A_36 = arith.constant 0 : i32
      %dma_wait3A_37 = tpu.memref_slice %arg3[%add3A, %run_scoped3A_23, %dma_wait3A_35, %dma_wait3A_36] : memref<32x12x256x256xf32, #tpu.memory_space<hbm>> -> memref<1x1x256x256xf32, #tpu.memory_space<hbm>>
      %dma_wait3A_38 = tpu.memref_squeeze %dma_wait3A_37 : memref<1x1x256x256xf32, #tpu.memory_space<hbm>> -> memref<256x256xf32, #tpu.memory_space<hbm>>
      tpu.wait_dma2 semaphore(%run_scoped3A_24 : memref<!tpu.dma_semaphore, #tpu.memory_space<semaphore_mem>>) src(%arg5 : memref<256x256xf32, #tpu.memory_space<vmem>>) dst(%dma_wait3A_38 : memref<256x256xf32, #tpu.memory_space<hbm>>)
      tpu.yield
    }) : () -> ()
    return
  }
}

module attributes {stable_mosaic.version = 14 : i64} {
  func.func @_tc_copy_body(%arg0: i32, %arg1: memref<1x12x256x256xf32, #tpu.memory_space<vmem>>, %arg2: memref<1x12x256x256xf32, #tpu.memory_space<vmem>>) attributes {dimension_semantics = [#tpu.dimension_semantics<parallel>], iteration_bounds = array<i64: 32>, scalar_prefetch = 0 : i64, scratch_operands = 0 : i64, tpu.core_type = #tpu.core_type<tc>, window_params = [{transform_indices = @transform_0, window_bounds = array<i64: 1, 12, 256, 256>}, {transform_indices = @transform_1, window_bounds = array<i64: 1, 12, 256, 256>}]} {
    %get3A = arith.constant 0 : index
    %get3A_0 = arith.constant 0 : index
    %get3A_1 = arith.constant 0 : index
    %get3A_2 = arith.constant 0 : index
    %get3A_3 = vector.load %arg1[%get3A, %get3A_0, %get3A_1, %get3A_2] : memref<1x12x256x256xf32, #tpu.memory_space<vmem>>, vector<1x12x256x256xf32>
    %get3A_4 = vector.shape_cast %get3A_3 : vector<1x12x256x256xf32> to vector<12x256x256xf32>
    %swap3A = arith.constant 0 : index
    %swap3A_5 = arith.constant 0 : index
    %swap3A_6 = arith.constant 0 : index
    %swap3A_7 = arith.constant 0 : index
    %swap3A_8 = vector.load %arg2[%swap3A, %swap3A_5, %swap3A_6, %swap3A_7] : memref<1x12x256x256xf32, #tpu.memory_space<vmem>>, vector<1x12x256x256xf32>
    %swap3A_9 = vector.shape_cast %swap3A_8 : vector<1x12x256x256xf32> to vector<12x256x256xf32>
    %swap3A_10 = vector.shape_cast %get3A_4 : vector<12x256x256xf32> to vector<1x12x256x256xf32>
    tpu.vector_store %arg2[%swap3A, %swap3A_5, %swap3A_6, %swap3A_7], %swap3A_10 {strides = array<i32>} : memref<1x12x256x256xf32, #tpu.memory_space<vmem>>, vector<1x12x256x256xf32>,
    return
  }
  func.func @transform_0(%arg0: i32) -> (i32, i32, i32, i32) {
    %c0_i32 = arith.constant 0 : i32
    %c0_i32_0 = arith.constant 0 : i32
    %c0_i32_1 = arith.constant 0 : i32
    %c0_i32_2 = arith.constant 0 : i32
    return %arg0, %c0_i32, %c0_i32_0, %c0_i32_1 : i32, i32, i32, i32
  }
  func.func @transform_1(%arg0: i32) -> (i32, i32, i32, i32) {
    %c0_i32 = arith.constant 0 : i32
    %c0_i32_0 = arith.constant 0 : i32
    %c0_i32_1 = arith.constant 0 : i32
    %c0_i32_2 = arith.constant 0 : i32
    return %arg0, %c0_i32, %c0_i32_0, %c0_i32_1 : i32, i32, i32, i32
  }
}

</mosaic_0001>

<sc_bundles>
// kernel: kernel.4.cloned.1.call-start
scs
__scs_entry_jumppad:
0x0: {  	(pc) =	sbr.rel $0x88, $3  }
0x1: {  	(tag) =	ssettag $0x0;
	lr =	simm.s32 $0x1  }
0x2: {  	[smem:$0x3F9F] =	sst lr;
	_ =	strace $0xD0000000  }
0x3: {  	_ = 	snop  }
0x4: {  	_ = 	snop  }
0x5: {  	_ = 	snop  }
0x6: {  	_ = 	snop  }
0x7: {  	_ = 	snop  }
__scs_overlays_trampoline_lowered:
0x8: {  	[smem:$0x3FAE] =	sst s0  }
0x9: {  	[smem:$0x3FAF] =	sst s1  }
0xa: {  	[smem:$0x3FB0] =	sst s2  }
0xb: {  	[smem:$0x3FB1] =	sst s3  }
0xc: {  	[smem:$0x3FB2] =	sst s4  }
0xd: {  	[smem:$0x3FB3] =	sst s5  }
0xe: {  	[smem:$0x3FB4] =	sst s6  }
0xf: {  	[smem:$0x3FB5] =	sst s7  }
0x10: {  	[smem:$0x3FB6] =	sst s8  }
0x11: {  	[smem:$0x3FB7] =	sst s9;
	s0 =	simm.s32 @!p0 $0x0  }
0x12: {  	s1 =	sld [smem:$0x3F9D];
	s0 =	simm.s32 @p0 $0x1  }
0x13: {  	[smem:$0x3FB8] =	sst s0;
	s0 =	simm.s32 @!p1 $0x0  }
0x14: {  	s2 =	sld [smem:$0x3F9C];
	s0 =	simm.s32 @p1 $0x1  }
0x15: {  	[smem:$0x3FB9] =	sst s0;
	s0 =	simm.s32 @!p2 $0x0  }
0x16: {  	s3 =	sld [smem:$0x3FDB];
	s0 =	simm.s32 @p2 $0x1  }
0x17: {  	s4 =	simm.s32 $0x1BF5;
	[smem:$0x3FBB] =	sst s0  }
0x18: {  	s0 =	sld [smem:$0x3F9E];
	_ =	swait.ge [sflag:s4], $0x0  }
0x19: {  	s7 =	sld [smem:$0x3F9F]  }
0x1a: {  	s8 =	sadd.s32 $0xFFFFE003, lr  }
0x1b: {  	s9 =	sadd.s32 $0xFFFFFEF7, lr;
	s5 =	simm.s32 $0xFFFFFFFF;
	p2 =	slt.u32 s8, $0xFFFFF086  }
0x1c: {  	p1 =	slt.u32 s9, $0xF7A;
	s5 =	simm.s32 @!p2 $0x0  }
0x1d: {  	s5 =	simm.s32 @p1 $0x1;
	p0 =	seq.s32 s7, s2  }
0x1e: {  	s7 =	smul.u32 @!p0 $0xF7A, s2;
	p2 =	seq.s32 @!p0 s5, $0x0  }
0x1f: {  	s9 =	smul.u32 $0xF7A, s1;
	s8 =	simm.s32 @!p0 $0x1BF5;
	p2 =	por !p2, p0  }
0x20: {  	[sflag:s8] =	ssyncset.s32 @!p0 $0xFFFFF086;
	s6 =	sadd.s32 @!p0 s3, s7;
	s7 =	simm.s32 @!p0 $0x108  }
0x21: {  	s3 =	sadd.s32 s3, s9;
	s6 =	sadd.s32 @!p0 $0x88, s6;
	s7 =	simm.s32 @p2 $0x1082  }
0x22: {  	[simem:s7], [sflag:s8] =	dma.local @!p0 [hbm:s6], $0xF7A  }
0x23: {  	s9 =	sor.u32 $0xD0000000, s2;
	s6 =	simm.s32 $0x108;
	_ =	swait.ge @!p0 [sflag:s8], $0x0  }
0x24: {  	s3 =	sadd.s32 $0x88, s3;
	s6 =	simm.s32 @!p1 $0x1082;
	[sflag:s4] =	ssyncset.s32 $0xFFFFF086  }
0x25: {  	[simem:s6], [sflag:s4] =	dma.local [hbm:s3], $0xF7A  }
0x26: {  	[smem:$0x3F9F] =	sst s1;
	(tag) =	ssettag s2;
	_ =	strace s9  }
0x27: {  	s1 =	sld [smem:$0x3FAF]  }
0x28: {  	s2 =	sld [smem:$0x3FB0]  }
0x29: {  	s4 =	sld [smem:$0x3FB2]  }
0x2a: {  	p0 =	seq.s32 s5, $0x0;
	s5 =	sld [smem:$0x3FB3]  }
0x2b: {  	s6 =	sld [smem:$0x3FB4]  }
0x2c: {  	s7 =	sld [smem:$0x3FB5]  }
0x2d: {  	s3 =	simm.s32 $0x108;
	s8 =	sld [smem:$0x3FB6]  }
0x2e: {  	s3 =	simm.s32 @!p0 $0x1082;
	s9 =	sld [smem:$0x3FB7]  }
0x2f: {  	lr =	sadd.s32 s0, s3;
	s0 =	sld [smem:$0x3FAE]  }
0x30: {  	s3 =	sld [smem:$0x3FB1]  }
0x31: {  	[smem:$0x3FBA] =	sst s10  }
0x32: {  	s10 =	sld [smem:$0x3FB8];
	_ =	sdelay $0x3  }
0x33: {  	p0 =	seq.s32 s10, $0x1;
	s10 =	sld [smem:$0x3FBA];
	_ =	sdelay $0x3  }
0x34: {  	[smem:$0x3FBA] =	sst s10  }
0x35: {  	s10 =	sld [smem:$0x3FB9];
	_ =	sdelay $0x3  }
0x36: {  	p1 =	seq.s32 s10, $0x1;
	s10 =	sld [smem:$0x3FBA];
	_ =	sdelay $0x3  }
0x37: {  	[smem:$0x3FBA] =	sst s10  }
0x38: {  	s10 =	sld [smem:$0x3FBB]  }
0x39: {  	_ = 	snop;
	(pc) =	sbr.ind lr, $3  }
0x3a: {  	_ = 	snop  }
0x3b: {  	_ = 	snop  }
0x3c: {  	p2 =	seq.s32 s10, $0x1;
	s10 =	sld [smem:$0x3FBA]  }
0x3d: {  	_ =	shalt  }
0x3e: {  	_ =	shalt  }
0x3f: {  	_ =	shalt  }
0x40: {  	_ =	shalt  }
0x41: {  	_ =	shalt  }
0x42: {  	_ =	shalt  }
0x43: {  	_ =	shalt  }
0x44: {  	_ =	shalt  }
0x45: {  	_ =	shalt  }
0x46: {  	_ =	shalt  }
0x47: {  	_ =	shalt  }
0x48: {  	_ =	shalt  }
0x49: {  	_ =	shalt  }
0x4a: {  	_ =	shalt  }
0x4b: {  	_ =	shalt  }
0x4c: {  	_ =	shalt  }
0x4d: {  	_ =	shalt  }
0x4e: {  	_ =	shalt  }
0x4f: {  	_ =	shalt  }
0x50: {  	_ =	shalt  }
0x51: {  	_ =	shalt  }
0x52: {  	_ =	shalt  }
0x53: {  	_ =	shalt  }
0x54: {  	_ =	shalt  }
0x55: {  	_ =	shalt  }
0x56: {  	_ =	shalt  }
0x57: {  	_ =	shalt  }
0x58: {  	_ =	shalt  }
0x59: {  	_ =	shalt  }
0x5a: {  	_ =	shalt  }
0x5b: {  	_ =	shalt  }
0x5c: {  	_ =	shalt  }
0x5d: {  	_ =	shalt  }
0x5e: {  	_ =	shalt  }
0x5f: {  	_ =	shalt  }
0x60: {  	_ =	shalt  }
0x61: {  	_ =	shalt  }
0x62: {  	_ =	shalt  }
0x63: {  	_ =	shalt  }
0x64: {  	_ =	shalt  }
0x65: {  	_ =	shalt  }
0x66: {  	_ =	shalt  }
0x67: {  	_ =	shalt  }
0x68: {  	_ =	shalt  }
0x69: {  	_ =	shalt  }
0x6a: {  	_ =	shalt  }
0x6b: {  	_ =	shalt  }
0x6c: {  	_ =	shalt  }
0x6d: {  	_ =	shalt  }
0x6e: {  	_ =	shalt  }
0x6f: {  	_ =	shalt  }
0x70: {  	_ =	shalt  }
0x71: {  	_ =	shalt  }
0x72: {  	_ =	shalt  }
0x73: {  	_ =	shalt  }
0x74: {  	_ =	shalt  }
0x75: {  	_ =	shalt  }
0x76: {  	_ =	shalt  }
0x77: {  	_ =	shalt  }
0x78: {  	_ =	shalt  }
0x79: {  	_ =	shalt  }
0x7a: {  	_ =	shalt  }
0x7b: {  	_ =	shalt  }
0x7c: {  	_ =	shalt  }
0x7d: {  	_ =	shalt  }
0x7e: {  	_ =	shalt  }
0x7f: {  	_ =	shalt  }
0x80: {  	_ =	shalt  }
0x81: {  	_ =	shalt  }
0x82: {  	_ =	shalt  }
0x83: {  	_ =	shalt  }
0x84: {  	_ =	shalt  }
0x85: {  	_ =	shalt  }
0x86: {  	_ =	shalt  }
0x87: {  	_ =	shalt  }
.Lfunc_end0:
.L_simem_size_0:
called_computation_lowered:
.L_overlay_start_0:
0x88: {  	s2 =	sld [smem:$0x3FD9]  }
0x89: {  	s3 =	sld [smem:$0x3FFE];
	_ =	sdelay $0x1  }
0x8a: {  	s1 =	srdreg.scid  }
0x8b: {  	s0 =	sand.u32 $0x1, s1  }
0x8c: {  	s15 =	sshll.u32 s0, $0xA;
	s2 =	sadd.s32 s3, s2  }
0x8d: {  	s2 =	sadd.s32 s2, s15  }
0x8e: {  	[smem:$0x3FC6] =	sst s2  }
0x8f: {  	_ = 	snop  }
0x90: {  	s2 =	sld [smem:$0x3FD0];
	_ =	sdelay $0x2  }
0x91: {  	s4 =	simm.s32 $0xA;
	s5 =	simm.s32 $0x10;
	s16 =	sld [smem:$0x3FC8]  }
0x92: {  	[smem:s5], [sflag:s4] =	dma.local [hbm:s2], $0x1  }
0x93: {  	_ =	swait.eq [sflag:s4], $0x1  }
0x94: {  	[sflag:s4] =	ssyncset.done $0x0  }
0x95: {  	[sflag:s4] =	ssyncadd.s32 $0xFFFFFFFF  }
0x96: {  	s17 =	sld [smem:$0x10];
	(tm) =	ssettm $0x1  }
0x97: {  	s18 =	sld [smem:$0x3FFB];
	_ =	sdelay $0x3  }
0x98: {  	_ =	strace s18  }
0x99: {  	s4 =	sld [smem:$0x3FFC];
	_ =	sdelay $0x3  }
0x9a: {  	_ =	strace s4  }
0x9b: {  	s4 =	sld [smem:$0x3FFD];
	_ =	sdelay $0x3  }
0x9c: {  	_ =	strace s4  }
0x9d: {  	_ =	strace $0x8FFFFFFF  }
0x9e: {  	s19 =	sld [smem:$0x3FDB];
	_ =	sdelay $0x1  }
0x9f: {  	s20 =	simm.s32 $_scs_section_size  }
0xa0: {  	s6 =	simm.s32 $_size__tile_overlayer_lowered;
	s7 =	simm.s32 $_tile_overlayer_lowered  }
0xa1: {  	s23 =	simm.s32 $0x1BFF;
	s22 =	sshll.u32 s7, $0x1;
	s4 =	sadd.s32 s20, s19  }
0xa2: {  	s8 =	simm.s32 $0x0;
	s21 =	sshll.u32 s6, $0x1;
	s6 =	sadd.s32 s22, s4  }
0xa3: {  	[timem:s8], [sflag:s23] =	dma.local [hbm:s6], s21  }
0xa4: {  	_ =	swait.ge [sflag:s23], s21  }
0xa5: {  	s5 =	ssub.s32 $0x0, s21;
	[sflag:s23] =	ssyncset.done $0x0  }
0xa6: {  	[sflag:s23] =	ssyncadd.s32 s5;
	_ =	sdelay $0x1  }
0xa7: {  	s24 =	simm.s32 $0x1B8B  }
0xa8: {  	_ =	swait.ge [sflag:s24], $0x1  }
0xa9: {  	[sflag:s24] =	ssyncset.done $0x0  }
0xaa: {  	s25 =	simm.s32 $0x1B8E;
	[sflag:s24] =	ssyncadd.s32 $0xFFFFFFFF  }
0xab: {  	s26 =	simm.s32 $execute0_lowered;
	[smem:$0x3FD2] =	sst s25  }
0xac: {  	s5 =	sshll.u32 s26, $0x1;
	_ =	strace $0x80000046;
	[dreg:$0x1] =	wrdreg $0xFFFFFFFF  }
0xad: {  	s28 =	simm.s32 $_size_execute0_lowered;
	s4 =	sadd.s32 s4, s5;
	[dreg:$0x0] =	wrdreg $0x0  }
0xae: {  	s5 =	sshll.u32 s28, $0x1;
	[dreg:$0x2] =	wrdreg s4  }
0xaf: {  	[dreg:$0x3] =	wrdreg s5  }
0xb0: {  	[dreg:$0x4] =	wrdreg $0xC0  }
0xb1: {  	_ =	task [dreg:s8], $0x5FFFF  }
0xb2: {  	[dreg:$0x1] =	wrdreg $0xFFFFFFFF  }
0xb3: {  	[dreg:$0x0] =	wrdreg $0x60  }
0xb4: {  	[dreg:$0x2] =	wrdreg s16  }
0xb5: {  	[dreg:$0x3] =	wrdreg s17  }
0xb6: {  	[dreg:$0x4] =	wrdreg $0x9  }
0xb7: {  	_ =	task.clear_ibuf [dreg:s8], $0x5FFFF;
	_ =	strace $0x90000046  }
0xb8: {  	s29 =	simm.s32 $0x9;
	_ =	strace $0x80000048  }
0xb9: {  	_ =	swait.ge [sflag:s29], $0x1  }
0xba: {  	[sflag:s29] =	ssyncadd.s32 $0xFFFFFFFF  }
0xbb: {  	_ =	strace $0x90000048  }
0xbc: {  	_ =	sfence  }
0xbd: {  	s30 =	sld [smem:$0x0];
	_ =	sdelay $0x2  }
0xbe: {  	s31 =	sshll.u32 s1, $0xD;
	s1 =	sshrl.u32 s1, $0x2  }
0xbf: {  	s3 =	sand.u32 $0x4000, s31;
	s1 =	sadd.s32 s1, s30  }
0xc0: {  	s0 =	sor.u32 s3, s0;
	s1 =	sshll.u32 s1, $0x11  }
0xc1: {  	s0 =	sor.u32 s1, s0  }
0xc2: {  	s0 =	sadd.s32 $0x8F2B, s0  }
0xc3: {  	[sflag:s0] =	ssyncadd.remote.s32 $0x1  }
0xc4: {  	_ =	sfence.sel $0xFFFF  }
0xc5: {  	[dreg:$0x0] =	wrdreg $0xFFFFFFFF;
	(pc) =	sbr.abs _section_cstart, $3  }
0xc6: {  	[dreg:$0x1] =	wrdreg $0xFFFFFFFF  }
0xc7: {  	_ =	task.clear_ibuf [dreg:s8], $0x2FFFF;
	_ =	strace $0x9FFFFFFF  }
0xc8: {  	(tm) =	ssettm $0x7FFFFFFF  }
0xc9: {  	_ =	shalt  }
tec
execute0_lowered:
.L_overlay_start_1:
0x0: {  	(tag) =	ssettag $0x1  }
0x1: {  	s1 =	srdreg.scid;
	s0 =	stileid.u32  }
0x2: {  	s28 =	sand.u32 $0x1, s1;
	s31 =	sshll.u32 s0, $0x1  }
0x3: {  	s1 =	sor.u32 s28, s31  }
0x4: {  	s30 =	rddreg [dreg:$0x0];
	s3 =	smul.u32 $0xC0000, s1  }
0x5: {  	s29 =	rddreg [dreg:$0x1];
	s2 =	simm.s32 $0x0  }
0x6: {  	[smem:$0x7FF] =	sst s2;
	s31 =	sshrl.u32 s3, $0x3  }
0x7: {  	_ =	strace $0x80000047;
	s3 =	simm.s32 $0x1;
	s4 =	sadd.s32 s30, s31  }
0x8: {  	[tilespmem:s2], [sflag:$0x1] =	stream.linear.gather [hbm4b:s4+s2], $0x10000, $0x38;
	v63 =	vld [tilespmem:$0x0]  }
0x9: {  	_ =	swait.ge [sflag:s3], $0x10000  }
0xa: {  	[sflag:s3] =	ssyncset.done $0x0  }
0xb: {  	s5 =	sadd.s32 s29, s31;
	[sflag:s3] =	ssyncadd.s32 $0xFFFF0000  }
0xc: {  	[hbm4b:s5+s2] =	stream.linear.scatter [tilespmem:s2], [sflag:$0x1], $0x10000, $0x38;
	v63 =	vld [tilespmem:$0x0]  }
0xd: {  	_ =	swait.ge [sflag:s3], $0x10000  }
0xe: {  	s8 =	sor.u32 $0x2000, s31;
	[sflag:s3] =	ssyncset.done $0x0  }
0xf: {  	s7 =	simm.s32 $0x10000;
	s6 =	sadd.s32 s30, s8;
	[sflag:s3] =	ssyncadd.s32 $0xFFFF0000  }
0x10: {  	[tilespmem:s7], [sflag:$0x1] =	stream.linear.gather [hbm4b:s6+s2], $0x10000, $0x38;
	v63 =	vld [tilespmem:$0x0]  }
0x11: {  	_ =	swait.ge [sflag:s3], $0x10000  }
0x12: {  	[sflag:s3] =	ssyncset.done $0x0  }
0x13: {  	s8 =	sadd.s32 s29, s8;
	[sflag:s3] =	ssyncadd.s32 $0xFFFF0000  }
0x14: {  	[hbm4b:s8+s2] =	stream.linear.scatter [tilespmem:s7], [sflag:$0x1], $0x10000, $0x38;
	v63 =	vld [tilespmem:$0x0]  }
0x15: {  	_ =	swait.ge [sflag:s3], $0x10000  }
0x16: {  	s10 =	sor.u32 $0x4000, s31;
	[sflag:s3] =	ssyncset.done $0x0  }
0x17: {  	s9 =	sadd.s32 s30, s10;
	[sflag:s3] =	ssyncadd.s32 $0xFFFF0000  }
0x18: {  	[tilespmem:s2], [sflag:$0x1] =	stream.linear.gather [hbm4b:s9+s2], $0x10000, $0x38;
	v63 =	vld [tilespmem:$0x0]  }
0x19: {  	_ =	swait.ge [sflag:s3], $0x10000  }
0x1a: {  	[sflag:s3] =	ssyncset.done $0x0  }
0x1b: {  	s10 =	sadd.s32 s29, s10;
	[sflag:s3] =	ssyncadd.s32 $0xFFFF0000  }
0x1c: {  	[hbm4b:s10+s2] =	stream.linear.scatter [tilespmem:s2], [sflag:$0x1], $0x10000, $0x38;
	v63 =	vld [tilespmem:$0x0]  }
0x1d: {  	_ =	swait.ge [sflag:s3], $0x10000  }
0x1e: {  	s12 =	sor.u32 $0x6000, s31;
	[sflag:s3] =	ssyncset.done $0x0  }
0x1f: {  	s11 =	sadd.s32 s30, s12;
	[sflag:s3] =	ssyncadd.s32 $0xFFFF0000  }
0x20: {  	[tilespmem:s7], [sflag:$0x1] =	stream.linear.gather [hbm4b:s11+s2], $0x10000, $0x38;
	v63 =	vld [tilespmem:$0x0]  }
0x21: {  	_ =	swait.ge [sflag:s3], $0x10000  }
0x22: {  	[sflag:s3] =	ssyncset.done $0x0  }
0x23: {  	s12 =	sadd.s32 s29, s12;
	[sflag:s3] =	ssyncadd.s32 $0xFFFF0000  }
0x24: {  	[hbm4b:s12+s2] =	stream.linear.scatter [tilespmem:s7], [sflag:$0x1], $0x10000, $0x38;
	v63 =	vld [tilespmem:$0x0]  }
0x25: {  	_ =	swait.ge [sflag:s3], $0x10000  }
0x26: {  	s14 =	sadd.s32 $0x8000, s31;
	[sflag:s3] =	ssyncset.done $0x0  }
0x27: {  	s13 =	sadd.s32 s30, s14;
	[sflag:s3] =	ssyncadd.s32 $0xFFFF0000  }
0x28: {  	[tilespmem:s2], [sflag:$0x1] =	stream.linear.gather [hbm4b:s13+s2], $0x10000, $0x38;
	v63 =	vld [tilespmem:$0x0]  }
0x29: {  	_ =	swait.ge [sflag:s3], $0x10000  }
0x2a: {  	[sflag:s3] =	ssyncset.done $0x0  }
0x2b: {  	s14 =	sadd.s32 s29, s14;
	[sflag:s3] =	ssyncadd.s32 $0xFFFF0000  }
0x2c: {  	[hbm4b:s14+s2] =	stream.linear.scatter [tilespmem:s2], [sflag:$0x1], $0x10000, $0x38;
	v63 =	vld [tilespmem:$0x0]  }
0x2d: {  	_ =	swait.ge [sflag:s3], $0x10000  }
0x2e: {  	s16 =	sadd.s32 $0xA000, s31;
	[sflag:s3] =	ssyncset.done $0x0  }
0x2f: {  	s15 =	sadd.s32 s30, s16;
	[sflag:s3] =	ssyncadd.s32 $0xFFFF0000  }
0x30: {  	[tilespmem:s7], [sflag:$0x1] =	stream.linear.gather [hbm4b:s15+s2], $0x10000, $0x38;
	v63 =	vld [tilespmem:$0x0]  }
0x31: {  	_ =	swait.ge [sflag:s3], $0x10000  }
0x32: {  	[sflag:s3] =	ssyncset.done $0x0  }
0x33: {  	s16 =	sadd.s32 s29, s16;
	[sflag:s3] =	ssyncadd.s32 $0xFFFF0000  }
0x34: {  	[hbm4b:s16+s2] =	stream.linear.scatter [tilespmem:s7], [sflag:$0x1], $0x10000, $0x38;
	v63 =	vld [tilespmem:$0x0]  }
0x35: {  	_ =	swait.ge [sflag:s3], $0x10000  }
0x36: {  	s18 =	sadd.s32 $0xC000, s31;
	[sflag:s3] =	ssyncset.done $0x0  }
0x37: {  	s17 =	sadd.s32 s30, s18;
	[sflag:s3] =	ssyncadd.s32 $0xFFFF0000  }
0x38: {  	[tilespmem:s2], [sflag:$0x1] =	stream.linear.gather [hbm4b:s17+s2], $0x10000, $0x38;
	v63 =	vld [tilespmem:$0x0]  }
0x39: {  	_ =	swait.ge [sflag:s3], $0x10000  }
0x3a: {  	[sflag:s3] =	ssyncset.done $0x0  }
0x3b: {  	s18 =	sadd.s32 s29, s18;
	[sflag:s3] =	ssyncadd.s32 $0xFFFF0000  }
0x3c: {  	[hbm4b:s18+s2] =	stream.linear.scatter [tilespmem:s2], [sflag:$0x1], $0x10000, $0x38;
	v63 =	vld [tilespmem:$0x0]  }
0x3d: {  	_ =	swait.ge [sflag:s3], $0x10000  }
0x3e: {  	s20 =	sadd.s32 $0xE000, s31;
	[sflag:s3] =	ssyncset.done $0x0  }
0x3f: {  	s19 =	sadd.s32 s30, s20;
	[sflag:s3] =	ssyncadd.s32 $0xFFFF0000  }
0x40: {  	[tilespmem:s7], [sflag:$0x1] =	stream.linear.gather [hbm4b:s19+s2], $0x10000, $0x38;
	v63 =	vld [tilespmem:$0x0]  }
0x41: {  	_ =	swait.ge [sflag:s3], $0x10000  }
0x42: {  	[sflag:s3] =	ssyncset.done $0x0  }
0x43: {  	s20 =	sadd.s32 s29, s20;
	[sflag:s3] =	ssyncadd.s32 $0xFFFF0000  }
0x44: {  	[hbm4b:s20+s2] =	stream.linear.scatter [tilespmem:s7], [sflag:$0x1], $0x10000, $0x38;
	v63 =	vld [tilespmem:$0x0]  }
0x45: {  	_ =	swait.ge [sflag:s3], $0x10000  }
0x46: {  	s22 =	sadd.s32 $0x10000, s31;
	[sflag:s3] =	ssyncset.done $0x0  }
0x47: {  	s21 =	sadd.s32 s30, s22;
	[sflag:s3] =	ssyncadd.s32 $0xFFFF0000  }
0x48: {  	[tilespmem:s2], [sflag:$0x1] =	stream.linear.gather [hbm4b:s21+s2], $0x10000, $0x38;
	v63 =	vld [tilespmem:$0x0]  }
0x49: {  	_ =	swait.ge [sflag:s3], $0x10000  }
0x4a: {  	[sflag:s3] =	ssyncset.done $0x0  }
0x4b: {  	s22 =	sadd.s32 s29, s22;
	[sflag:s3] =	ssyncadd.s32 $0xFFFF0000  }
0x4c: {  	[hbm4b:s22+s2] =	stream.linear.scatter [tilespmem:s2], [sflag:$0x1], $0x10000, $0x38;
	v63 =	vld [tilespmem:$0x0]  }
0x4d: {  	_ =	swait.ge [sflag:s3], $0x10000  }
0x4e: {  	s24 =	sadd.s32 $0x12000, s31;
	[sflag:s3] =	ssyncset.done $0x0  }
0x4f: {  	s23 =	sadd.s32 s30, s24;
	[sflag:s3] =	ssyncadd.s32 $0xFFFF0000  }
0x50: {  	[tilespmem:s7], [sflag:$0x1] =	stream.linear.gather [hbm4b:s23+s2], $0x10000, $0x38;
	v63 =	vld [tilespmem:$0x0]  }
0x51: {  	_ =	swait.ge [sflag:s3], $0x10000  }
0x52: {  	[sflag:s3] =	ssyncset.done $0x0  }
0x53: {  	s24 =	sadd.s32 s29, s24;
	[sflag:s3] =	ssyncadd.s32 $0xFFFF0000  }
0x54: {  	[hbm4b:s24+s2] =	stream.linear.scatter [tilespmem:s7], [sflag:$0x1], $0x10000, $0x38;
	v63 =	vld [tilespmem:$0x0]  }
0x55: {  	_ =	swait.ge [sflag:s3], $0x10000  }
0x56: {  	s26 =	sadd.s32 $0x14000, s31;
	[sflag:s3] =	ssyncset.done $0x0  }
0x57: {  	s25 =	sadd.s32 s30, s26;
	[sflag:s3] =	ssyncadd.s32 $0xFFFF0000  }
0x58: {  	[tilespmem:s2], [sflag:$0x1] =	stream.linear.gather [hbm4b:s25+s2], $0x10000, $0x38;
	v63 =	vld [tilespmem:$0x0]  }
0x59: {  	_ =	swait.ge [sflag:s3], $0x10000  }
0x5a: {  	s1 =	ssub.s32 $0x2, s28;
	[sflag:s3] =	ssyncset.done $0x0  }
0x5b: {  	s31 =	sadd.s32 $0x16000, s31;
	s26 =	sadd.s32 s29, s26;
	[sflag:s3] =	ssyncadd.s32 $0xFFFF0000  }
0x5c: {  	[hbm4b:s26+s2] =	stream.linear.scatter [tilespmem:s2], [sflag:$0x1], $0x10000, $0x38;
	v63 =	vld [tilespmem:$0x0]  }
0x5d: {  	s28 =	sadd.s32 s30, s31;
	s30 =	sshrl.u32 s1, $0x1;
	_ =	swait.ge [sflag:s3], $0x10000  }
0x5e: {  	s1 =	ssub.s32 s1, s30;
	[sflag:s3] =	ssyncset.done $0x0  }
0x5f: {  	s1 =	smax.u32 s1, $0x1;
	[sflag:s3] =	ssyncadd.s32 $0xFFFF0000  }
0x60: {  	[tilespmem:s7], [sflag:$0x1] =	stream.linear.gather [hbm4b:s28+s2], $0x10000, $0x38;
	v63 =	vld [tilespmem:$0x0]  }
0x61: {  	p0 =	sne.s32 s1, $0x1;
	_ =	swait.ge [sflag:s3], $0x10000  }
.Ltmp0:
0x62: {  	[sflag:s3] =	ssyncset.done $0x0;
	(pc) =	sbr.rel @!p0 .LBB2_2-.Ltmp0, $4  }
0x63: {  	s29 =	sadd.s32 s29, s31;
	[sflag:s3] =	ssyncadd.s32 $0xFFFF0000  }
0x64: {  	[hbm4b:s29+s2] =	stream.linear.scatter [tilespmem:s7], [sflag:$0x1], $0x10000, $0x38;
	v63 =	vld [tilespmem:$0x0]  }
0x65: {  	_ =	swait.ge [sflag:s3], $0x10000  }
0x66: {  	s30 =	sadd.s32 $0xFFFFFFFF, s1;
	[sflag:s3] =	ssyncset.done $0x0  }
.LBB2_1:
0x67: {  	p0 =	sne.s32 s30, $0x1;
	s30 =	sadd.s32 $0xFFFFFFFF, s30;
	[sflag:s3] =	ssyncadd.s32 $0xFFFF0000  }
0x68: {  	[tilespmem:s2], [sflag:$0x1] =	stream.linear.gather [hbm4b:s4+s2], $0x10000, $0x38;
	v63 =	vld [tilespmem:$0x0]  }
0x69: {  	_ =	swait.ge [sflag:s3], $0x10000  }
0x6a: {  	[sflag:s3] =	ssyncset.done $0x0  }
0x6b: {  	[sflag:s3] =	ssyncadd.s32 $0xFFFF0000  }
0x6c: {  	[hbm4b:s5+s2] =	stream.linear.scatter [tilespmem:s2], [sflag:$0x1], $0x10000, $0x38;
	v63 =	vld [tilespmem:$0x0]  }
0x6d: {  	_ =	swait.ge [sflag:s3], $0x10000  }
0x6e: {  	[sflag:s3] =	ssyncset.done $0x0  }
0x6f: {  	[sflag:s3] =	ssyncadd.s32 $0xFFFF0000  }
0x70: {  	[tilespmem:s7], [sflag:$0x1] =	stream.linear.gather [hbm4b:s6+s2], $0x10000, $0x38;
	v63 =	vld [tilespmem:$0x0]  }
0x71: {  	_ =	swait.ge [sflag:s3], $0x10000  }
0x72: {  	[sflag:s3] =	ssyncset.done $0x0  }
0x73: {  	[sflag:s3] =	ssyncadd.s32 $0xFFFF0000  }
0x74: {  	[hbm4b:s8+s2] =	stream.linear.scatter [tilespmem:s7], [sflag:$0x1], $0x10000, $0x38;
	v63 =	vld [tilespmem:$0x0]  }
0x75: {  	_ =	swait.ge [sflag:s3], $0x10000  }
0x76: {  	[sflag:s3] =	ssyncset.done $0x0  }
0x77: {  	[sflag:s3] =	ssyncadd.s32 $0xFFFF0000  }
0x78: {  	[tilespmem:s2], [sflag:$0x1] =	stream.linear.gather [hbm4b:s9+s2], $0x10000, $0x38;
	v63 =	vld [tilespmem:$0x0]  }
0x79: {  	_ =	swait.ge [sflag:s3], $0x10000  }
0x7a: {  	[sflag:s3] =	ssyncset.done $0x0  }
0x7b: {  	[sflag:s3] =	ssyncadd.s32 $0xFFFF0000  }
0x7c: {  	[hbm4b:s10+s2] =	stream.linear.scatter [tilespmem:s2], [sflag:$0x1], $0x10000, $0x38;
	v63 =	vld [tilespmem:$0x0]  }
0x7d: {  	_ =	swait.ge [sflag:s3], $0x10000  }
0x7e: {  	[sflag:s3] =	ssyncset.done $0x0  }
0x7f: {  	[sflag:s3] =	ssyncadd.s32 $0xFFFF0000  }
0x80: {  	[tilespmem:s7], [sflag:$0x1] =	stream.linear.gather [hbm4b:s11+s2], $0x10000, $0x38;
	v63 =	vld [tilespmem:$0x0]  }
0x81: {  	_ =	swait.ge [sflag:s3], $0x10000  }
0x82: {  	[sflag:s3] =	ssyncset.done $0x0  }
0x83: {  	[sflag:s3] =	ssyncadd.s32 $0xFFFF0000  }
0x84: {  	[hbm4b:s12+s2] =	stream.linear.scatter [tilespmem:s7], [sflag:$0x1], $0x10000, $0x38;
	v63 =	vld [tilespmem:$0x0]  }
0x85: {  	_ =	swait.ge [sflag:s3], $0x10000  }
0x86: {  	[sflag:s3] =	ssyncset.done $0x0  }
0x87: {  	[sflag:s3] =	ssyncadd.s32 $0xFFFF0000  }
0x88: {  	[tilespmem:s2], [sflag:$0x1] =	stream.linear.gather [hbm4b:s13+s2], $0x10000, $0x38;
	v63 =	vld [tilespmem:$0x0]  }
0x89: {  	_ =	swait.ge [sflag:s3], $0x10000  }
0x8a: {  	[sflag:s3] =	ssyncset.done $0x0  }
0x8b: {  	[sflag:s3] =	ssyncadd.s32 $0xFFFF0000  }
0x8c: {  	[hbm4b:s14+s2] =	stream.linear.scatter [tilespmem:s2], [sflag:$0x1], $0x10000, $0x38;
	v63 =	vld [tilespmem:$0x0]  }
0x8d: {  	_ =	swait.ge [sflag:s3], $0x10000  }
0x8e: {  	[sflag:s3] =	ssyncset.done $0x0  }
0x8f: {  	[sflag:s3] =	ssyncadd.s32 $0xFFFF0000  }
0x90: {  	[tilespmem:s7], [sflag:$0x1] =	stream.linear.gather [hbm4b:s15+s2], $0x10000, $0x38;
	v63 =	vld [tilespmem:$0x0]  }
0x91: {  	_ =	swait.ge [sflag:s3], $0x10000  }
0x92: {  	[sflag:s3] =	ssyncset.done $0x0  }
0x93: {  	[sflag:s3] =	ssyncadd.s32 $0xFFFF0000  }
0x94: {  	[hbm4b:s16+s2] =	stream.linear.scatter [tilespmem:s7], [sflag:$0x1], $0x10000, $0x38;
	v63 =	vld [tilespmem:$0x0]  }
0x95: {  	_ =	swait.ge [sflag:s3], $0x10000  }
0x96: {  	[sflag:s3] =	ssyncset.done $0x0  }
0x97: {  	[sflag:s3] =	ssyncadd.s32 $0xFFFF0000  }
0x98: {  	[tilespmem:s2], [sflag:$0x1] =	stream.linear.gather [hbm4b:s17+s2], $0x10000, $0x38;
	v63 =	vld [tilespmem:$0x0]  }
0x99: {  	_ =	swait.ge [sflag:s3], $0x10000  }
0x9a: {  	[sflag:s3] =	ssyncset.done $0x0  }
0x9b: {  	[sflag:s3] =	ssyncadd.s32 $0xFFFF0000  }
0x9c: {  	[hbm4b:s18+s2] =	stream.linear.scatter [tilespmem:s2], [sflag:$0x1], $0x10000, $0x38;
	v63 =	vld [tilespmem:$0x0]  }
0x9d: {  	_ =	swait.ge [sflag:s3], $0x10000  }
0x9e: {  	[sflag:s3] =	ssyncset.done $0x0  }
0x9f: {  	[sflag:s3] =	ssyncadd.s32 $0xFFFF0000  }
0xa0: {  	[tilespmem:s7], [sflag:$0x1] =	stream.linear.gather [hbm4b:s19+s2], $0x10000, $0x38;
	v63 =	vld [tilespmem:$0x0]  }
0xa1: {  	_ =	swait.ge [sflag:s3], $0x10000  }
0xa2: {  	[sflag:s3] =	ssyncset.done $0x0  }
0xa3: {  	[sflag:s3] =	ssyncadd.s32 $0xFFFF0000  }
0xa4: {  	[hbm4b:s20+s2] =	stream.linear.scatter [tilespmem:s7], [sflag:$0x1], $0x10000, $0x38;
	v63 =	vld [tilespmem:$0x0]  }
0xa5: {  	_ =	swait.ge [sflag:s3], $0x10000  }
0xa6: {  	[sflag:s3] =	ssyncset.done $0x0  }
0xa7: {  	[sflag:s3] =	ssyncadd.s32 $0xFFFF0000  }
0xa8: {  	[tilespmem:s2], [sflag:$0x1] =	stream.linear.gather [hbm4b:s21+s2], $0x10000, $0x38;
	v63 =	vld [tilespmem:$0x0]  }
0xa9: {  	_ =	swait.ge [sflag:s3], $0x10000  }
0xaa: {  	[sflag:s3] =	ssyncset.done $0x0  }
0xab: {  	[sflag:s3] =	ssyncadd.s32 $0xFFFF0000  }
0xac: {  	[hbm4b:s22+s2] =	stream.linear.scatter [tilespmem:s2], [sflag:$0x1], $0x10000, $0x38;
	v63 =	vld [tilespmem:$0x0]  }
0xad: {  	_ =	swait.ge [sflag:s3], $0x10000  }
0xae: {  	[sflag:s3] =	ssyncset.done $0x0  }
0xaf: {  	[sflag:s3] =	ssyncadd.s32 $0xFFFF0000  }
0xb0: {  	[tilespmem:s7], [sflag:$0x1] =	stream.linear.gather [hbm4b:s23+s2], $0x10000, $0x38;
	v63 =	vld [tilespmem:$0x0]  }
0xb1: {  	_ =	swait.ge [sflag:s3], $0x10000  }
0xb2: {  	[sflag:s3] =	ssyncset.done $0x0  }
0xb3: {  	[sflag:s3] =	ssyncadd.s32 $0xFFFF0000  }
0xb4: {  	[hbm4b:s24+s2] =	stream.linear.scatter [tilespmem:s7], [sflag:$0x1], $0x10000, $0x38;
	v63 =	vld [tilespmem:$0x0]  }
0xb5: {  	_ =	swait.ge [sflag:s3], $0x10000  }
0xb6: {  	[sflag:s3] =	ssyncset.done $0x0  }
0xb7: {  	[sflag:s3] =	ssyncadd.s32 $0xFFFF0000  }
0xb8: {  	[tilespmem:s2], [sflag:$0x1] =	stream.linear.gather [hbm4b:s25+s2], $0x10000, $0x38;
	v63 =	vld [tilespmem:$0x0]  }
0xb9: {  	_ =	swait.ge [sflag:s3], $0x10000  }
0xba: {  	[sflag:s3] =	ssyncset.done $0x0  }
0xbb: {  	[sflag:s3] =	ssyncadd.s32 $0xFFFF0000  }
0xbc: {  	[hbm4b:s26+s2] =	stream.linear.scatter [tilespmem:s2], [sflag:$0x1], $0x10000, $0x38;
	v63 =	vld [tilespmem:$0x0]  }
0xbd: {  	_ =	swait.ge [sflag:s3], $0x10000  }
0xbe: {  	[sflag:s3] =	ssyncset.done $0x0  }
0xbf: {  	[sflag:s3] =	ssyncadd.s32 $0xFFFF0000  }
0xc0: {  	[tilespmem:s7], [sflag:$0x1] =	stream.linear.gather [hbm4b:s28+s2], $0x10000, $0x38;
	v63 =	vld [tilespmem:$0x0]  }
0xc1: {  	_ =	swait.ge [sflag:s3], $0x10000  }
.Ltmp1:
0xc2: {  	[sflag:s3] =	ssyncset.done $0x0;
	(pc) =	sbr.rel @p0 .LBB2_1-.Ltmp1, $4  }
0xc3: {  	[sflag:s3] =	ssyncadd.s32 $0xFFFF0000  }
0xc4: {  	[hbm4b:s29+s2] =	stream.linear.scatter [tilespmem:s7], [sflag:$0x1], $0x10000, $0x38;
	v63 =	vld [tilespmem:$0x0]  }
0xc5: {  	_ =	swait.ge [sflag:s3], $0x10000  }
0xc6: {  	[sflag:s3] =	ssyncset.done $0x0  }
.LBB2_2:
0xc7: {  	[sflag:s3] =	ssyncadd.s32 $0xFFFF0000  }
0xc8: {  	_ =	sfence.sel $0x180000  }
0xc9: {  	[bflag:$0x0] =	sbarrier.arrive $0xFFFF  }
0xca: {  	_ =	strace $0x90000047  }
0xcb: {  	[bflag:$0x2] =	sbarrier.arrive $0xFFFF  }
0xcc: {  	p0 =	sne.s32 s0, $0x0;
	s0 =	rddreg [dreg:$0x2]  }
0xcd: {  	s0 =	sadd.s32 @!p0 $0x100000, s0  }
0xce: {  	[sflag:s0] =	ssyncadd.tile.s32 @!p0 $0x1;
	_ =	shalt  }
.Lfunc_end2:
_tile_overlayer_lowered:
.L_overlay_start_2:
0xcf: {  	(tag) =	ssettag $0x2  }
0xd0: {  	s0 =	rddreg [dreg:$0x0];
	s2 =	stileid.u32  }
0xd1: {  	s1 =	rddreg [dreg:$0x1];
	p0 =	sne.s32 s2, $0x0  }
0xd2: {  	s3 =	rddreg [dreg:$0x2];
	[bflag:$0x3] =	sbarrier.arrive $0xFFFF;
	s2 =	simm.s32 @!p0 $0x1C01  }
0xd3: {  	[timem:s3], [sflag:s2] =	dma.local @!p0 [hbm:s0], s1  }
0xd4: {  	s0 =	simm.s32 @!p0 $0x1  }
0xd5: {  	_ =	swait.ge @!p0 [sflag:s0], s1  }
0xd6: {  	s1 =	ssub.s32 @!p0 $0x0, s1;
	[sflag:s0] =	ssyncset.done @!p0 $0x0  }
0xd7: {  	[sflag:s0] =	ssyncadd.s32 @!p0 s1  }
0xd8: {  	[bflag:$0x3] =	sbarrier.arrive $0xFFFF  }
0xd9: {  	_ =	shalt  }

</sc_bundles>
